<compile_context>
chip_gen: v7x
topology: tpu7x:2x2x1
jax: 0.10.2.dev20260603
libtpu: 0.0.44.dev20260713+nightly
codegen_flags: <defaults>
</compile_context>

<pallas_src>
import functools

import jax
import jax.numpy as jnp
from jax import lax
from jax.experimental import pallas as pl
from jax.experimental.pallas import tpu as pltpu
from jax.experimental.pallas import tpu_sc as plsc

_N_NODES = 10000
_N_EDGES = 320000
_N_FACES = 160000
_D = 128
_ALPHA = 0.1

_NC = 2
_NS = 16

_BLK = 2000


_A_CH = 200
_EPC = _N_EDGES // _NC
_EPT = _EPC // _NS
_ROWS_PT = _N_NODES // _NS


def _node_scatter_body(x1_hbm, src_hbm, dst_hbm, yp_hbm, y_acc, xbuf, dstbuf, srcbuf):
    c = lax.axis_index("c")
    s = lax.axis_index("s")
    base = c * _EPC + s * _EPT

    def zrow(r, carry2):
        for c8 in range(_D // 16):
            xbuf[r, pl.ds(c8 * 16, 16)] = jnp.zeros((16,), jnp.float32)
        return carry2

    lax.fori_loop(0, 104, zrow, 0)
    for j in range(6):
        pltpu.sync_copy(xbuf.at[pl.ds(0, 104)],
                        y_acc.at[pl.ds(s * 624 + j * 104, 104)])

    @pl.when(s == _NS - 1)
    def _ztail():
        pltpu.sync_copy(xbuf.at[pl.ds(0, _N_NODES - 9984)],
                        y_acc.at[pl.ds(9984, _N_NODES - 9984)])

    plsc.subcore_barrier()

    def chunk(i, carry):
        off = base + i * _A_CH
        pltpu.sync_copy(x1_hbm.at[pl.ds(off, _A_CH)], xbuf)
        pltpu.sync_copy(dst_hbm.at[pl.ds(off, _A_CH)], dstbuf)
        pltpu.sync_copy(src_hbm.at[pl.ds(off, _A_CH)], srcbuf)
        pltpu.sync_copy(xbuf, y_acc.at[dstbuf], add=True)

        def neg_row(r, carry2):
            for c8 in range(_D // 16):
                xbuf[r, pl.ds(c8 * 16, 16)] = -xbuf[r, pl.ds(c8 * 16, 16)]
            return carry2

        lax.fori_loop(0, _A_CH, neg_row, 0)
        pltpu.sync_copy(xbuf, y_acc.at[srcbuf], add=True)
        return carry

    lax.fori_loop(0, _EPT // _A_CH, chunk, 0)
    plsc.subcore_barrier()
    pltpu.sync_copy(y_acc.at[pl.ds(s * 624, 624)],
                    yp_hbm.at[c, pl.ds(s * 624, 624)])

    @pl.when(s == _NS - 1)
    def _tail():
        pltpu.sync_copy(y_acc.at[pl.ds(9984, _N_NODES - 9984)],
                        yp_hbm.at[c, pl.ds(9984, _N_NODES - 9984)])


@jax.jit
def _node_scatter(x1, src, dst):
    mesh = plsc.VectorSubcoreMesh(core_axis_name="c", subcore_axis_name="s",
                                  num_cores=_NC, num_subcores=_NS)
    return pl.kernel(
        _node_scatter_body,
        out_type=jax.ShapeDtypeStruct((_NC, _N_NODES, _D), jnp.float32),
        mesh=mesh,
        scratch_types=[
            pltpu.VMEM_SHARED((_N_NODES, _D), jnp.float32),
            pltpu.VMEM((_A_CH, _D), jnp.float32),
            pltpu.VMEM((_A_CH,), jnp.int32),
            pltpu.VMEM((_A_CH,), jnp.int32),
        ],
    )(x1, src, dst)



_C_CH = 200
_FPT = _N_FACES // (_NC * _NS)


def _face_gather_body(x1_hbm, f0_hbm, f1_hbm, f2_hbm, u2_hbm, w_hbm,
                      f0b, f1b, f2b, A, T, B, sem, sem2, sem3, sem4):
    c = lax.axis_index("c")
    s = lax.axis_index("s")
    wid = c * _NS + s
    base = wid * _FPT
    pltpu.sync_copy(f0_hbm.at[pl.ds(base, _FPT)], f0b)
    pltpu.sync_copy(f1_hbm.at[pl.ds(base, _FPT)], f1b)
    pltpu.sync_copy(f2_hbm.at[pl.ds(base, _FPT)], f2b)

    def chunk(i, carry):
        off = i * _C_CH
        cp0 = pltpu.async_copy(x1_hbm.at[f0b.at[pl.ds(off, _C_CH)]], A, sem)
        cp1 = pltpu.async_copy(x1_hbm.at[f1b.at[pl.ds(off, _C_CH)]], T, sem2)
        pltpu.sync_copy(u2_hbm.at[pl.ds(base + off, _C_CH)], B)
        cp0.wait()
        pltpu.async_copy(x1_hbm.at[f2b.at[pl.ds(off, _C_CH)]], A, sem,
                         add=True).wait()
        cp1.wait()

        def rowop(r, carry2):
            for c8 in range(_D // 16):
                sl = pl.ds(c8 * 16, 16)
                B[r, sl] = B[r, sl] - _ALPHA * (A[r, sl] - T[r, sl])
            return carry2

        lax.fori_loop(0, _C_CH, rowop, 0)
        cw0 = pltpu.async_copy(B, w_hbm.at[pl.ds(base + off, _C_CH)], sem3)
        cw2 = pltpu.async_copy(
            B, w_hbm.at[pl.ds(2 * _N_FACES + base + off, _C_CH)], sem4)
        cw0.wait()
        cw2.wait()

        def rowneg(r, carry2):
            for c8 in range(_D // 16):
                sl = pl.ds(c8 * 16, 16)
                B[r, sl] = -B[r, sl]
            return carry2

        lax.fori_loop(0, _C_CH, rowneg, 0)
        pltpu.sync_copy(B, w_hbm.at[pl.ds(_N_FACES + base + off, _C_CH)])
        return carry

    lax.fori_loop(0, _FPT // _C_CH, chunk, 0)


@jax.jit
def _face_gather(x1, f0, f1, f2, u2):
    mesh = plsc.VectorSubcoreMesh(core_axis_name="c", subcore_axis_name="s",
                                  num_cores=_NC, num_subcores=_NS)
    return pl.kernel(
        _face_gather_body,
        out_type=jax.ShapeDtypeStruct((3 * _N_FACES, _D), jnp.float32),
        mesh=mesh,
        scratch_types=[
            pltpu.VMEM((_FPT,), jnp.int32),
            pltpu.VMEM((_FPT,), jnp.int32),
            pltpu.VMEM((_FPT,), jnp.int32),
            pltpu.VMEM((_C_CH, _D), jnp.float32),
            pltpu.VMEM((_C_CH, _D), jnp.float32),
            pltpu.VMEM((_C_CH, _D), jnp.float32),
            pltpu.SemaphoreType.DMA,
            pltpu.SemaphoreType.DMA,
            pltpu.SemaphoreType.DMA,
            pltpu.SemaphoreType.DMA,
        ],
    )(x1, f0, f1, f2, u2)



_G_CH = 200
_G_EPT = _N_EDGES // (_NC * _NS)


def _edge_gather_body(v_hbm, src_hbm, dst_hbm, g_hbm,
                      db, sb, VD, VS, semd, sems):
    c = lax.axis_index("c")
    s = lax.axis_index("s")
    wid = c * _NS + s
    base = wid * _G_EPT

    def chunk(i, carry):
        off = base + i * _G_CH
        pltpu.sync_copy(dst_hbm.at[pl.ds(off, _G_CH)], db)
        pltpu.sync_copy(src_hbm.at[pl.ds(off, _G_CH)], sb)
        cpd = pltpu.async_copy(v_hbm.at[db], VD, semd)
        cps = pltpu.async_copy(v_hbm.at[sb], VS, sems)
        cpd.wait()
        cps.wait()

        def rowop(r, carry2):
            for c8 in range(_D // 16):
                sl = pl.ds(c8 * 16, 16)
                VD[r, sl] = VD[r, sl] - VS[r, sl]
            return carry2

        lax.fori_loop(0, _G_CH, rowop, 0)
        pltpu.sync_copy(VD, g_hbm.at[pl.ds(off, _G_CH)])
        return carry

    lax.fori_loop(0, _G_EPT // _G_CH, chunk, 0)


@jax.jit
def _edge_gather(v, src, dst):
    mesh = plsc.VectorSubcoreMesh(core_axis_name="c", subcore_axis_name="s",
                                  num_cores=_NC, num_subcores=_NS)
    return pl.kernel(
        _edge_gather_body,
        out_type=jax.ShapeDtypeStruct((_N_EDGES, _D), jnp.float32),
        mesh=mesh,
        scratch_types=[
            pltpu.VMEM((_G_CH,), jnp.int32),
            pltpu.VMEM((_G_CH,), jnp.int32),
            pltpu.VMEM((_G_CH, _D), jnp.float32),
            pltpu.VMEM((_G_CH, _D), jnp.float32),
            pltpu.SemaphoreType.DMA,
            pltpu.SemaphoreType.DMA,
        ],
    )(v, src, dst)



_DC = 12800
_NCHUNK = _N_EDGES // _DC
_FPAD = 160256
_FPT_D = _FPAD // (_NC * _NS)
_SCAN_BLKS = [32] * 9 + [25]
_DSIGNS = (1.0, -1.0, 1.0)


def _edge_scatter_body(f0_hbm, f1_hbm, f2_hbm, w_hbm, e_hbm,
                       e_acc, fb0, fb1, fb2, locl, fidl, rowbuf, zbuf, cntb, sem):
    c = lax.axis_index("c")
    s = lax.axis_index("s")
    wid = c * _NS + s
    fbase = wid * _FPT_D
    pltpu.sync_copy(f0_hbm.at[pl.ds(fbase, _FPT_D)], fb0)
    pltpu.sync_copy(f1_hbm.at[pl.ds(fbase, _FPT_D)], fb1)
    pltpu.sync_copy(f2_hbm.at[pl.ds(fbase, _FPT_D)], fb2)

    def zrow(r, carry2):
        for c8 in range(_D // 16):
            zbuf[r, pl.ds(c8 * 16, 16)] = jnp.zeros((16,), jnp.float32)
        return carry2

    lax.fori_loop(0, 32, zrow, 0)
    iota16 = lax.iota(jnp.int32, 16)
    rows_pt = _DC // _NS

    def flush(k, cnt):
        plsc.store_scatter(locl, [cnt + iota16],
                           jnp.full((16,), _DC, jnp.int32) + iota16)
        plsc.store_scatter(fidl, [cnt + iota16], iota16)
        nb = lax.shift_right_logical(cnt + 15, 4)

        def batch(jb, carry3):
            fidv = fidl[pl.ds(jb * 16, 16)]
            locv = locl[pl.ds(jb * 16, 16)]
            pltpu.async_copy(w_hbm.at[fidv], rowbuf, sem).wait()
            if k == 1:
                for r in range(16):
                    for c8 in range(_D // 16):
                        sl = pl.ds(c8 * 16, 16)
                        rowbuf[r, sl] = -rowbuf[r, sl]
            pltpu.sync_copy(rowbuf, e_acc.at[locv], add=True)
            return carry3

        lax.fori_loop(0, nb, batch, 0)

    n_pass = jnp.where(c == 0, 13, _NCHUNK - 13)

    def pass_body(i, carry):
        ch = i + c * 13
        base = ch * _DC
        for j in range(rows_pt // 32):
            pltpu.sync_copy(zbuf, e_acc.at[pl.ds(s * rows_pt + j * 32, 32)])
        plsc.subcore_barrier()
        for k, fb in ((0, fb0), (1, fb1), (2, fb2)):
            voff = 0
            for nv in _SCAN_BLKS:
                def scan_iter(j, cnt, _voff=voff, _fb=fb):
                    idx = _fb[pl.ds((_voff + j) * 16, 16)]
                    loc = idx - base
                    mask = (idx >= base) & (loc < _DC)
                    cs = plsc.cumsum(mask.astype(jnp.int32))
                    pos = jnp.where(mask, cnt + cs - 1, 543)
                    plsc.store_scatter(locl, [pos], loc)
                    fidv = fbase + (_voff + j) * 16 + iota16
                    plsc.store_scatter(fidl, [pos], fidv)
                    return cnt + cs[15]

                cnt = lax.fori_loop(0, nv, scan_iter, jnp.int32(0))
                flush(k, cnt)
                voff += nv
        plsc.subcore_barrier()
        pltpu.sync_copy(e_acc.at[pl.ds(s * rows_pt, rows_pt)],
                        e_hbm.at[pl.ds(base + s * rows_pt, rows_pt)])
        return carry

    lax.fori_loop(0, n_pass, pass_body, 0)


@jax.jit
def _edge_scatter(f0p, f1p, f2p, w):
    mesh = plsc.VectorSubcoreMesh(core_axis_name="c", subcore_axis_name="s",
                                  num_cores=_NC, num_subcores=_NS)
    return pl.kernel(
        _edge_scatter_body,
        out_type=jax.ShapeDtypeStruct((_N_EDGES, _D), jnp.float32),
        mesh=mesh,
        scratch_types=[
            pltpu.VMEM_SHARED((_DC + 16, _D), jnp.float32),
            pltpu.VMEM((_FPT_D,), jnp.int32),
            pltpu.VMEM((_FPT_D,), jnp.int32),
            pltpu.VMEM((_FPT_D,), jnp.int32),
            pltpu.VMEM((544,), jnp.int32),
            pltpu.VMEM((544,), jnp.int32),
            pltpu.VMEM((16, _D), jnp.float32),
            pltpu.VMEM((32, _D), jnp.float32),
            pltpu.VMEM((16,), jnp.int32),
            pltpu.SemaphoreType.DMA,
        ],
    )(f0p, f1p, f2p, w)



def _v_body(x0_ref, yp_ref, w_ref, o_ref):
    u0 = jnp.dot(x0_ref[...], w_ref[...], preferred_element_type=jnp.float32)
    o_ref[...] = u0 - _ALPHA * (yp_ref[0] + yp_ref[1])


@jax.jit
def _v_table(x0, yp, W_grad_t):
    n = x0.shape[0]
    return pl.pallas_call(
        _v_body,
        grid=(n // _BLK,),
        in_specs=[
            pl.BlockSpec((_BLK, _D), lambda i: (i, 0)),
            pl.BlockSpec((_NC, _BLK, _D), lambda i: (0, i, 0)),
            pl.BlockSpec((_D, _D), lambda i: (0, 0)),
        ],
        out_specs=pl.BlockSpec((_BLK, _D), lambda i: (i, 0)),
        out_shape=jax.ShapeDtypeStruct((n, _D), jnp.float32),
    )(x0, yp, W_grad_t)


def _mm_body(x_ref, w_ref, o_ref):
    o_ref[...] = jnp.dot(x_ref[...], w_ref[...], preferred_element_type=jnp.float32)


@jax.jit
def _matmul(x, Wt):
    n = x.shape[0]
    return pl.pallas_call(
        _mm_body,
        grid=(n // _BLK,),
        in_specs=[
            pl.BlockSpec((_BLK, _D), lambda i: (i, 0)),
            pl.BlockSpec((_D, _D), lambda i: (0, 0)),
        ],
        out_specs=pl.BlockSpec((_BLK, _D), lambda i: (i, 0)),
        out_shape=jax.ShapeDtypeStruct((n, _D), jnp.float32),
    )(x, Wt)


def _final_body(x1_ref, e_ref, w_ref, b_ref, o_ref):
    acc = jnp.dot(x1_ref[...], w_ref[...], preferred_element_type=jnp.float32)
    o_ref[...] = jnp.maximum(acc + e_ref[...] + b_ref[...], 0.0)


@jax.jit
def _final_matmul(x1, e, W_self_t, bias):
    n = x1.shape[0]
    return pl.pallas_call(
        _final_body,
        grid=(n // _BLK,),
        in_specs=[
            pl.BlockSpec((_BLK, _D), lambda i: (i, 0)),
            pl.BlockSpec((_BLK, _D), lambda i: (i, 0)),
            pl.BlockSpec((_D, _D), lambda i: (0, 0)),
            pl.BlockSpec((1, _D), lambda i: (0, 0)),
        ],
        out_specs=pl.BlockSpec((_BLK, _D), lambda i: (i, 0)),
        out_shape=jax.ShapeDtypeStruct((n, _D), jnp.float32),
    )(x1, e, W_self_t, bias)



def kernel(x1, x0, x2, edge_index, face_edge_index, W_self, W_grad, W_curl, bias):
    src = edge_index[0]
    dst = edge_index[1]
    fe0, fe1, fe2 = face_edge_index[0], face_edge_index[1], face_edge_index[2]

    yp = _node_scatter(x1, src, dst)
    v = _v_table(x0, yp, W_grad.T)
    g = _edge_gather(v, src, dst)

    u2 = _matmul(x2, W_curl.T)
    wsigned = _face_gather(x1, fe0, fe1, fe2, u2)

    all_idx = jnp.concatenate([fe0, fe1, fe2])
    e = g.at[all_idx].add(wsigned)

    return _final_matmul(x1, e, W_self.T, bias.reshape(1, _D))

# --- scband reference (transcript-rebuilt; emitter-appended) ---
"""Pipeline reference for scband-simplicial-edge-conv-37615323578574 (READ-ONLY COPY).

The authoritative reference and input builder live on the scoring server;
editing this copy changes nothing except your own understanding.
"""

import jax, jax.numpy as jnp
import numpy as np

N_NODES = 10000
N_EDGES = 320000
N_FACES = 160000
D = 128
ALPHA = 0.1
SIGNS = (1.0, -1.0, 1.0)  # incidence sign pattern of the 3 edges of each face


def setup_inputs(seed: int = 0) -> dict:
    key = jax.random.key(seed)
    ks = jax.random.split(key, 9)
    x1 = jax.random.normal(ks[0], (N_EDGES, D), dtype=jnp.float32)
    x0 = jax.random.normal(ks[1], (N_NODES, D), dtype=jnp.float32)
    x2 = jax.random.normal(ks[2], (N_FACES, D), dtype=jnp.float32)
    edge_index = jax.random.randint(ks[3], (2, N_EDGES), 0, N_NODES, dtype=jnp.int32)
    face_edge_index = jax.random.randint(ks[4], (3, N_FACES), 0, N_EDGES, dtype=jnp.int32)
    # learned parameters (nn.Linear weights have shape (out, in); bias init zeros in torch,
    # use small random here so it participates in the computation)
    W_self = jax.random.normal(ks[5], (D, D), dtype=jnp.float32) * 0.05
    W_grad = jax.random.normal(ks[6], (D, D), dtype=jnp.float32) * 0.05
    W_curl = jax.random.normal(ks[7], (D, D), dtype=jnp.float32) * 0.05
    bias = jax.random.normal(ks[8], (D,), dtype=jnp.float32) * 0.05
    return {"x1": x1, "x0": x0, "x2": x2, "edge_index": edge_index,
            "face_edge_index": face_edge_index, "W_self": W_self,
            "W_grad": W_grad, "W_curl": W_curl, "bias": bias}


def reference(x1, x0, x2, edge_index, face_edge_index, W_self, W_grad, W_curl, bias):
    src = edge_index[0]
    dst = edge_index[1]
    # h = lin_self(x1)
    h = x1 @ W_self.T
    # grad term: g = B1^T @ x0, where B1[src,e]=-1, B1[dst,e]=+1 (computed under no_grad in torch)
    g = jax.lax.stop_gradient(x0[dst] - x0[src])
    h = h + g @ W_grad.T
    # curl term: c = B2 @ x2, each face touches 3 edges with signs SIGNS (no_grad in torch)
    c = jnp.zeros((N_EDGES, D), dtype=x1.dtype)
    for k in range(3):
        c = c.at[face_edge_index[k]].add(SIGNS[k] * x2)
    c = jax.lax.stop_gradient(c)
    h = h + c @ W_curl.T
    # diffusion: L1 @ x1 = B1^T(B1 x1) + B2(B2^T x1)  (no_grad in torch)
    y = jnp.zeros((N_NODES, D), dtype=x1.dtype)
    y = y.at[dst].add(x1).at[src].add(-x1)        # B1 @ x1
    d1 = y[dst] - y[src]                           # B1^T @ y
    z = (SIGNS[0] * x1[face_edge_index[0]]
         + SIGNS[1] * x1[face_edge_index[1]]
         + SIGNS[2] * x1[face_edge_index[2]])      # B2^T @ x1
    d2 = jnp.zeros((N_EDGES, D), dtype=x1.dtype)
    for k in range(3):
        d2 = d2.at[face_edge_index[k]].add(SIGNS[k] * z)   # B2 @ z
    diff = jax.lax.stop_gradient(d1 + d2)
    h = h - ALPHA * diff
    h = h + bias
    h = jax.nn.relu(h)
    # dropout p=0 -> identity
    return h

if __name__ == "__main__":
    import jax
    _d = setup_inputs()
    print(jax.jit(kernel)(*tuple(_d.values())))

</pallas_src>

<mosaic_0001>
#map = affine_map<(d0, d1) -> (0, 0)>
#map1 = affine_map<(d0, d1) -> (0)>
#map2 = affine_map<(d0, d1) -> (0, 0, 0)>
module attributes {stable_mosaic.version = 14 : i64} {
  func.func @_node_scatter_body(%arg0: i32, %arg1: i32, %arg2: memref<320000x128xf32, #tpu.memory_space<hbm>>, %arg3: memref<320000xi32, #tpu.memory_space<hbm>>, %arg4: memref<320000xi32, #tpu.memory_space<hbm>>, %arg5: memref<2x10000x128xf32, #tpu.memory_space<hbm>>, %arg6: memref<10000x128xf32, #tpu.memory_space<vmem_shared>>, %arg7: memref<200x128xf32, #tpu.memory_space<vmem>>, %arg8: memref<200xi32, #tpu.memory_space<vmem>>, %arg9: memref<200xi32, #tpu.memory_space<vmem>>) attributes {dimension_semantics = [#tpu.dimension_semantics<core_parallel>, #tpu.dimension_semantics<subcore_parallel>], iteration_bounds = array<i64: 2, 16>, scalar_prefetch = 0 : i64, scratch_operands = 4 : i64, tpu.core_type = #tpu.core_type<sc_vector_subcore>, window_params = [{transform_indices = #map}, {transform_indices = #map1}, {transform_indices = #map1}, {transform_indices = #map2}]} {
    %mul3A = arith.constant 160000 : i32
    %mul3A_0 = arith.muli %arg0, %mul3A : i32
    %mul3A_1 = arith.constant 10000 : i32
    %mul3A_2 = arith.muli %arg1, %mul3A_1 : i32
    %add3A = arith.addi %mul3A_0, %mul3A_2 : i32
    %scan3A = arith.constant 0 : i32
    %scan3A_3 = arith.constant 0 : i32
    %scan3A_4 = arith.constant 104 : i32
    %scan3A_5 = arith.addi %scan3A_3, %scan3A_4 : i32
    %scan3A_6 = arith.constant 1 : i32
    scf.for %scan3A_50 = %scan3A_3 to %scan3A_5 step %scan3A_6  : i32 {
      %broadcast_in_dim3A = arith.constant 0.000000e+00 : f32
      %broadcast_in_dim3A_51 = vector.broadcast %broadcast_in_dim3A : f32 to vector<16xf32>
      %swap3A = arith.index_cast %scan3A_50 : i32 to index
      %swap3A_52 = arith.constant 0 : index
      %swap3A_53 = tpu.vector_load %arg7[%swap3A, %swap3A_52] {strides = array<i32>} : memref<200x128xf32, #tpu.memory_space<vmem>>, vector<1x16xf32>,
      %swap3A_54 = vector.shape_cast %swap3A_53 : vector<1x16xf32> to vector<16xf32>
      %swap3A_55 = vector.shape_cast %broadcast_in_dim3A_51 : vector<16xf32> to vector<1x16xf32>
      tpu.vector_store %arg7[%swap3A, %swap3A_52], %swap3A_55 {strides = array<i32>} : memref<200x128xf32, #tpu.memory_space<vmem>>, vector<1x16xf32>,
      %broadcast_in_dim3A_56 = arith.constant 0.000000e+00 : f32
      %broadcast_in_dim3A_57 = vector.broadcast %broadcast_in_dim3A_56 : f32 to vector<16xf32>
      %swap3A_58 = arith.index_cast %scan3A_50 : i32 to index
      %swap3A_59 = arith.constant 16 : index
      %swap3A_60 = tpu.vector_load %arg7[%swap3A_58, %swap3A_59] {strides = array<i32>} : memref<200x128xf32, #tpu.memory_space<vmem>>, vector<1x16xf32>,
      %swap3A_61 = vector.shape_cast %swap3A_60 : vector<1x16xf32> to vector<16xf32>
      %swap3A_62 = vector.shape_cast %broadcast_in_dim3A_57 : vector<16xf32> to vector<1x16xf32>
      tpu.vector_store %arg7[%swap3A_58, %swap3A_59], %swap3A_62 {strides = array<i32>} : memref<200x128xf32, #tpu.memory_space<vmem>>, vector<1x16xf32>,
      %broadcast_in_dim3A_63 = arith.constant 0.000000e+00 : f32
      %broadcast_in_dim3A_64 = vector.broadcast %broadcast_in_dim3A_63 : f32 to vector<16xf32>
      %swap3A_65 = arith.index_cast %scan3A_50 : i32 to index
      %swap3A_66 = arith.constant 32 : index
      %swap3A_67 = tpu.vector_load %arg7[%swap3A_65, %swap3A_66] {strides = array<i32>} : memref<200x128xf32, #tpu.memory_space<vmem>>, vector<1x16xf32>,
      %swap3A_68 = vector.shape_cast %swap3A_67 : vector<1x16xf32> to vector<16xf32>
      %swap3A_69 = vector.shape_cast %broadcast_in_dim3A_64 : vector<16xf32> to vector<1x16xf32>
      tpu.vector_store %arg7[%swap3A_65, %swap3A_66], %swap3A_69 {strides = array<i32>} : memref<200x128xf32, #tpu.memory_space<vmem>>, vector<1x16xf32>,
      %broadcast_in_dim3A_70 = arith.constant 0.000000e+00 : f32
      %broadcast_in_dim3A_71 = vector.broadcast %broadcast_in_dim3A_70 : f32 to vector<16xf32>
      %swap3A_72 = arith.index_cast %scan3A_50 : i32 to index
      %swap3A_73 = arith.constant 48 : index
      %swap3A_74 = tpu.vector_load %arg7[%swap3A_72, %swap3A_73] {strides = array<i32>} : memref<200x128xf32, #tpu.memory_space<vmem>>, vector<1x16xf32>,
      %swap3A_75 = vector.shape_cast %swap3A_74 : vector<1x16xf32> to vector<16xf32>
      %swap3A_76 = vector.shape_cast %broadcast_in_dim3A_71 : vector<16xf32> to vector<1x16xf32>
      tpu.vector_store %arg7[%swap3A_72, %swap3A_73], %swap3A_76 {strides = array<i32>} : memref<200x128xf32, #tpu.memory_space<vmem>>, vector<1x16xf32>,
      %broadcast_in_dim3A_77 = arith.constant 0.000000e+00 : f32
      %broadcast_in_dim3A_78 = vector.broadcast %broadcast_in_dim3A_77 : f32 to vector<16xf32>
      %swap3A_79 = arith.index_cast %scan3A_50 : i32 to index
      %swap3A_80 = arith.constant 64 : index
      %swap3A_81 = tpu.vector_load %arg7[%swap3A_79, %swap3A_80] {strides = array<i32>} : memref<200x128xf32, #tpu.memory_space<vmem>>, vector<1x16xf32>,
      %swap3A_82 = vector.shape_cast %swap3A_81 : vector<1x16xf32> to vector<16xf32>
      %swap3A_83 = vector.shape_cast %broadcast_in_dim3A_78 : vector<16xf32> to vector<1x16xf32>
      tpu.vector_store %arg7[%swap3A_79, %swap3A_80], %swap3A_83 {strides = array<i32>} : memref<200x128xf32, #tpu.memory_space<vmem>>, vector<1x16xf32>,
      %broadcast_in_dim3A_84 = arith.constant 0.000000e+00 : f32
      %broadcast_in_dim3A_85 = vector.broadcast %broadcast_in_dim3A_84 : f32 to vector<16xf32>
      %swap3A_86 = arith.index_cast %scan3A_50 : i32 to index
      %swap3A_87 = arith.constant 80 : index
      %swap3A_88 = tpu.vector_load %arg7[%swap3A_86, %swap3A_87] {strides = array<i32>} : memref<200x128xf32, #tpu.memory_space<vmem>>, vector<1x16xf32>,
      %swap3A_89 = vector.shape_cast %swap3A_88 : vector<1x16xf32> to vector<16xf32>
      %swap3A_90 = vector.shape_cast %broadcast_in_dim3A_85 : vector<16xf32> to vector<1x16xf32>
      tpu.vector_store %arg7[%swap3A_86, %swap3A_87], %swap3A_90 {strides = array<i32>} : memref<200x128xf32, #tpu.memory_space<vmem>>, vector<1x16xf32>,
      %broadcast_in_dim3A_91 = arith.constant 0.000000e+00 : f32
      %broadcast_in_dim3A_92 = vector.broadcast %broadcast_in_dim3A_91 : f32 to vector<16xf32>
      %swap3A_93 = arith.index_cast %scan3A_50 : i32 to index
      %swap3A_94 = arith.constant 96 : index
      %swap3A_95 = tpu.vector_load %arg7[%swap3A_93, %swap3A_94] {strides = array<i32>} : memref<200x128xf32, #tpu.memory_space<vmem>>, vector<1x16xf32>,
      %swap3A_96 = vector.shape_cast %swap3A_95 : vector<1x16xf32> to vector<16xf32>
      %swap3A_97 = vector.shape_cast %broadcast_in_dim3A_92 : vector<16xf32> to vector<1x16xf32>
      tpu.vector_store %arg7[%swap3A_93, %swap3A_94], %swap3A_97 {strides = array<i32>} : memref<200x128xf32, #tpu.memory_space<vmem>>, vector<1x16xf32>,
      %broadcast_in_dim3A_98 = arith.constant 0.000000e+00 : f32
      %broadcast_in_dim3A_99 = vector.broadcast %broadcast_in_dim3A_98 : f32 to vector<16xf32>
      %swap3A_100 = arith.index_cast %scan3A_50 : i32 to index
      %swap3A_101 = arith.constant 112 : index
      %swap3A_102 = tpu.vector_load %arg7[%swap3A_100, %swap3A_101] {strides = array<i32>} : memref<200x128xf32, #tpu.memory_space<vmem>>, vector<1x16xf32>,
      %swap3A_103 = vector.shape_cast %swap3A_102 : vector<1x16xf32> to vector<16xf32>
      %swap3A_104 = vector.shape_cast %broadcast_in_dim3A_99 : vector<16xf32> to vector<1x16xf32>
      tpu.vector_store %arg7[%swap3A_100, %swap3A_101], %swap3A_104 {strides = array<i32>} : memref<200x128xf32, #tpu.memory_space<vmem>>, vector<1x16xf32>,
    }
    %scan3A_7 = arith.constant 104 : i32
    %mul3A_8 = arith.constant 624 : i32
    %mul3A_9 = arith.muli %arg1, %mul3A_8 : i32
    %add3A_10 = arith.constant 0 : i32
    %add3A_11 = arith.addi %mul3A_9, %add3A_10 : i32
    "tpu.region"() ({
      %run_scoped3A = tpu.sem_alloc : memref<!tpu.dma_semaphore, #tpu.memory_space<semaphore_mem>>
      %dma_start3A = arith.constant 0 : i32
      %dma_start3A_50 = arith.constant 0 : i32
      %dma_start3A_51 = tpu.memref_slice %arg7[%dma_start3A, %dma_start3A_50] : memref<200x128xf32, #tpu.memory_space<vmem>> -> memref<104x128xf32, #tpu.memory_space<vmem>>
      %dma_start3A_52 = arith.constant 0 : i32
      %dma_start3A_53 = tpu.memref_slice %arg6[%add3A_11, %dma_start3A_52] : memref<10000x128xf32, #tpu.memory_space<vmem_shared>> -> memref<104x128xf32, #tpu.memory_space<vmem_shared>>
      %dma_start3A_54 = arith.constant 0 : i32
      %dma_start3A_55 = tpu.memref_slice %arg6[%add3A_11, %dma_start3A_54] : memref<10000x128xf32, #tpu.memory_space<vmem_shared>> -> memref<104x128xf32, #tpu.memory_space<vmem_shared>>
      %dma_start3A_56 = arith.constant 0 : i32
      %dma_start3A_57 = arith.constant 0 : i32
      %dma_start3A_58 = tpu.memref_slice %arg7[%dma_start3A_56, %dma_start3A_57] : memref<200x128xf32, #tpu.memory_space<vmem>> -> memref<104x128xf32, #tpu.memory_space<vmem>>
      tpu.enqueue_dma source(%dma_start3A_58 : memref<104x128xf32, #tpu.memory_space<vmem>>) target(%dma_start3A_55 : memref<104x128xf32, #tpu.memory_space<vmem_shared>>) target_semaphore(%run_scoped3A : memref<!tpu.dma_semaphore, #tpu.memory_space<semaphore_mem>>)
      %dma_wait3A = arith.constant 0 : i32
      %dma_wait3A_59 = arith.constant 0 : i32
      %dma_wait3A_60 = tpu.memref_slice %arg7[%dma_wait3A, %dma_wait3A_59] : memref<200x128xf32, #tpu.memory_space<vmem>> -> memref<104x128xf32, #tpu.memory_space<vmem>>
      %dma_wait3A_61 = arith.constant 0 : i32
      %dma_wait3A_62 = tpu.memref_slice %arg6[%add3A_11, %dma_wait3A_61] : memref<10000x128xf32, #tpu.memory_space<vmem_shared>> -> memref<104x128xf32, #tpu.memory_space<vmem_shared>>
      %dma_wait3A_63 = arith.constant 0 : i32
      %dma_wait3A_64 = tpu.memref_slice %arg6[%add3A_11, %dma_wait3A_63] : memref<10000x128xf32, #tpu.memory_space<vmem_shared>> -> memref<104x128xf32, #tpu.memory_space<vmem_shared>>
      %dma_wait3A_65 = arith.constant 0 : i32
      %dma_wait3A_66 = arith.constant 0 : i32
      %dma_wait3A_67 = tpu.memref_slice %arg7[%dma_wait3A_65, %dma_wait3A_66] : memref<200x128xf32, #tpu.memory_space<vmem>> -> memref<104x128xf32, #tpu.memory_space<vmem>>
      tpu.wait_dma2 semaphore(%run_scoped3A : memref<!tpu.dma_semaphore, #tpu.memory_space<semaphore_mem>>) src(%dma_wait3A_67 : memref<104x128xf32, #tpu.memory_space<vmem>>) dst(%dma_wait3A_64 : memref<104x128xf32, #tpu.memory_space<vmem_shared>>)
      tpu.yield
    }) : () -> ()
    %mul3A_12 = arith.constant 624 : i32
    %mul3A_13 = arith.muli %arg1, %mul3A_12 : i32
    %add3A_14 = arith.constant 104 : i32
    %add3A_15 = arith.addi %mul3A_13, %add3A_14 : i32
    "tpu.region"() ({
      %run_scoped3A = tpu.sem_alloc : memref<!tpu.dma_semaphore, #tpu.memory_space<semaphore_mem>>
      %dma_start3A = arith.constant 0 : i32
      %dma_start3A_50 = arith.constant 0 : i32
      %dma_start3A_51 = tpu.memref_slice %arg7[%dma_start3A, %dma_start3A_50] : memref<200x128xf32, #tpu.memory_space<vmem>> -> memref<104x128xf32, #tpu.memory_space<vmem>>
      %dma_start3A_52 = arith.constant 0 : i32
      %dma_start3A_53 = tpu.memref_slice %arg6[%add3A_15, %dma_start3A_52] : memref<10000x128xf32, #tpu.memory_space<vmem_shared>> -> memref<104x128xf32, #tpu.memory_space<vmem_shared>>
      %dma_start3A_54 = arith.constant 0 : i32
      %dma_start3A_55 = tpu.memref_slice %arg6[%add3A_15, %dma_start3A_54] : memref<10000x128xf32, #tpu.memory_space<vmem_shared>> -> memref<104x128xf32, #tpu.memory_space<vmem_shared>>
      %dma_start3A_56 = arith.constant 0 : i32
      %dma_start3A_57 = arith.constant 0 : i32
      %dma_start3A_58 = tpu.memref_slice %arg7[%dma_start3A_56, %dma_start3A_57] : memref<200x128xf32, #tpu.memory_space<vmem>> -> memref<104x128xf32, #tpu.memory_space<vmem>>
      tpu.enqueue_dma source(%dma_start3A_58 : memref<104x128xf32, #tpu.memory_space<vmem>>) target(%dma_start3A_55 : memref<104x128xf32, #tpu.memory_space<vmem_shared>>) target_semaphore(%run_scoped3A : memref<!tpu.dma_semaphore, #tpu.memory_space<semaphore_mem>>)
      %dma_wait3A = arith.constant 0 : i32
      %dma_wait3A_59 = arith.constant 0 : i32
      %dma_wait3A_60 = tpu.memref_slice %arg7[%dma_wait3A, %dma_wait3A_59] : memref<200x128xf32, #tpu.memory_space<vmem>> -> memref<104x128xf32, #tpu.memory_space<vmem>>
      %dma_wait3A_61 = arith.constant 0 : i32
      %dma_wait3A_62 = tpu.memref_slice %arg6[%add3A_15, %dma_wait3A_61] : memref<10000x128xf32, #tpu.memory_space<vmem_shared>> -> memref<104x128xf32, #tpu.memory_space<vmem_shared>>
      %dma_wait3A_63 = arith.constant 0 : i32
      %dma_wait3A_64 = tpu.memref_slice %arg6[%add3A_15, %dma_wait3A_63] : memref<10000x128xf32, #tpu.memory_space<vmem_shared>> -> memref<104x128xf32, #tpu.memory_space<vmem_shared>>
      %dma_wait3A_65 = arith.constant 0 : i32
      %dma_wait3A_66 = arith.constant 0 : i32
      %dma_wait3A_67 = tpu.memref_slice %arg7[%dma_wait3A_65, %dma_wait3A_66] : memref<200x128xf32, #tpu.memory_space<vmem>> -> memref<104x128xf32, #tpu.memory_space<vmem>>
      tpu.wait_dma2 semaphore(%run_scoped3A : memref<!tpu.dma_semaphore, #tpu.memory_space<semaphore_mem>>) src(%dma_wait3A_67 : memref<104x128xf32, #tpu.memory_space<vmem>>) dst(%dma_wait3A_64 : memref<104x128xf32, #tpu.memory_space<vmem_shared>>)
      tpu.yield
    }) : () -> ()
    %mul3A_16 = arith.constant 624 : i32
    %mul3A_17 = arith.muli %arg1, %mul3A_16 : i32
    %add3A_18 = arith.constant 208 : i32
    %add3A_19 = arith.addi %mul3A_17, %add3A_18 : i32
    "tpu.region"() ({
      %run_scoped3A = tpu.sem_alloc : memref<!tpu.dma_semaphore, #tpu.memory_space<semaphore_mem>>
      %dma_start3A = arith.constant 0 : i32
      %dma_start3A_50 = arith.constant 0 : i32
      %dma_start3A_51 = tpu.memref_slice %arg7[%dma_start3A, %dma_start3A_50] : memref<200x128xf32, #tpu.memory_space<vmem>> -> memref<104x128xf32, #tpu.memory_space<vmem>>
      %dma_start3A_52 = arith.constant 0 : i32
      %dma_start3A_53 = tpu.memref_slice %arg6[%add3A_19, %dma_start3A_52] : memref<10000x128xf32, #tpu.memory_space<vmem_shared>> -> memref<104x128xf32, #tpu.memory_space<vmem_shared>>
      %dma_start3A_54 = arith.constant 0 : i32
      %dma_start3A_55 = tpu.memref_slice %arg6[%add3A_19, %dma_start3A_54] : memref<10000x128xf32, #tpu.memory_space<vmem_shared>> -> memref<104x128xf32, #tpu.memory_space<vmem_shared>>
      %dma_start3A_56 = arith.constant 0 : i32
      %dma_start3A_57 = arith.constant 0 : i32
      %dma_start3A_58 = tpu.memref_slice %arg7[%dma_start3A_56, %dma_start3A_57] : memref<200x128xf32, #tpu.memory_space<vmem>> -> memref<104x128xf32, #tpu.memory_space<vmem>>
      tpu.enqueue_dma source(%dma_start3A_58 : memref<104x128xf32, #tpu.memory_space<vmem>>) target(%dma_start3A_55 : memref<104x128xf32, #tpu.memory_space<vmem_shared>>) target_semaphore(%run_scoped3A : memref<!tpu.dma_semaphore, #tpu.memory_space<semaphore_mem>>)
      %dma_wait3A = arith.constant 0 : i32
      %dma_wait3A_59 = arith.constant 0 : i32
      %dma_wait3A_60 = tpu.memref_slice %arg7[%dma_wait3A, %dma_wait3A_59] : memref<200x128xf32, #tpu.memory_space<vmem>> -> memref<104x128xf32, #tpu.memory_space<vmem>>
      %dma_wait3A_61 = arith.constant 0 : i32
      %dma_wait3A_62 = tpu.memref_slice %arg6[%add3A_19, %dma_wait3A_61] : memref<10000x128xf32, #tpu.memory_space<vmem_shared>> -> memref<104x128xf32, #tpu.memory_space<vmem_shared>>
      %dma_wait3A_63 = arith.constant 0 : i32
      %dma_wait3A_64 = tpu.memref_slice %arg6[%add3A_19, %dma_wait3A_63] : memref<10000x128xf32, #tpu.memory_space<vmem_shared>> -> memref<104x128xf32, #tpu.memory_space<vmem_shared>>
      %dma_wait3A_65 = arith.constant 0 : i32
      %dma_wait3A_66 = arith.constant 0 : i32
      %dma_wait3A_67 = tpu.memref_slice %arg7[%dma_wait3A_65, %dma_wait3A_66] : memref<200x128xf32, #tpu.memory_space<vmem>> -> memref<104x128xf32, #tpu.memory_space<vmem>>
      tpu.wait_dma2 semaphore(%run_scoped3A : memref<!tpu.dma_semaphore, #tpu.memory_space<semaphore_mem>>) src(%dma_wait3A_67 : memref<104x128xf32, #tpu.memory_space<vmem>>) dst(%dma_wait3A_64 : memref<104x128xf32, #tpu.memory_space<vmem_shared>>)
      tpu.yield
    }) : () -> ()
    %mul3A_20 = arith.constant 624 : i32
    %mul3A_21 = arith.muli %arg1, %mul3A_20 : i32
    %add3A_22 = arith.constant 312 : i32
    %add3A_23 = arith.addi %mul3A_21, %add3A_22 : i32
    "tpu.region"() ({
      %run_scoped3A = tpu.sem_alloc : memref<!tpu.dma_semaphore, #tpu.memory_space<semaphore_mem>>
      %dma_start3A = arith.constant 0 : i32
      %dma_start3A_50 = arith.constant 0 : i32
      %dma_start3A_51 = tpu.memref_slice %arg7[%dma_start3A, %dma_start3A_50] : memref<200x128xf32, #tpu.memory_space<vmem>> -> memref<104x128xf32, #tpu.memory_space<vmem>>
      %dma_start3A_52 = arith.constant 0 : i32
      %dma_start3A_53 = tpu.memref_slice %arg6[%add3A_23, %dma_start3A_52] : memref<10000x128xf32, #tpu.memory_space<vmem_shared>> -> memref<104x128xf32, #tpu.memory_space<vmem_shared>>
      %dma_start3A_54 = arith.constant 0 : i32
      %dma_start3A_55 = tpu.memref_slice %arg6[%add3A_23, %dma_start3A_54] : memref<10000x128xf32, #tpu.memory_space<vmem_shared>> -> memref<104x128xf32, #tpu.memory_space<vmem_shared>>
      %dma_start3A_56 = arith.constant 0 : i32
      %dma_start3A_57 = arith.constant 0 : i32
      %dma_start3A_58 = tpu.memref_slice %arg7[%dma_start3A_56, %dma_start3A_57] : memref<200x128xf32, #tpu.memory_space<vmem>> -> memref<104x128xf32, #tpu.memory_space<vmem>>
      tpu.enqueue_dma source(%dma_start3A_58 : memref<104x128xf32, #tpu.memory_space<vmem>>) target(%dma_start3A_55 : memref<104x128xf32, #tpu.memory_space<vmem_shared>>) target_semaphore(%run_scoped3A : memref<!tpu.dma_semaphore, #tpu.memory_space<semaphore_mem>>)
      %dma_wait3A = arith.constant 0 : i32
      %dma_wait3A_59 = arith.constant 0 : i32
      %dma_wait3A_60 = tpu.memref_slice %arg7[%dma_wait3A, %dma_wait3A_59] : memref<200x128xf32, #tpu.memory_space<vmem>> -> memref<104x128xf32, #tpu.memory_space<vmem>>
      %dma_wait3A_61 = arith.constant 0 : i32
      %dma_wait3A_62 = tpu.memref_slice %arg6[%add3A_23, %dma_wait3A_61] : memref<10000x128xf32, #tpu.memory_space<vmem_shared>> -> memref<104x128xf32, #tpu.memory_space<vmem_shared>>
      %dma_wait3A_63 = arith.constant 0 : i32
      %dma_wait3A_64 = tpu.memref_slice %arg6[%add3A_23, %dma_wait3A_63] : memref<10000x128xf32, #tpu.memory_space<vmem_shared>> -> memref<104x128xf32, #tpu.memory_space<vmem_shared>>
      %dma_wait3A_65 = arith.constant 0 : i32
      %dma_wait3A_66 = arith.constant 0 : i32
      %dma_wait3A_67 = tpu.memref_slice %arg7[%dma_wait3A_65, %dma_wait3A_66] : memref<200x128xf32, #tpu.memory_space<vmem>> -> memref<104x128xf32, #tpu.memory_space<vmem>>
      tpu.wait_dma2 semaphore(%run_scoped3A : memref<!tpu.dma_semaphore, #tpu.memory_space<semaphore_mem>>) src(%dma_wait3A_67 : memref<104x128xf32, #tpu.memory_space<vmem>>) dst(%dma_wait3A_64 : memref<104x128xf32, #tpu.memory_space<vmem_shared>>)
      tpu.yield
    }) : () -> ()
    %mul3A_24 = arith.constant 624 : i32
    %mul3A_25 = arith.muli %arg1, %mul3A_24 : i32
    %add3A_26 = arith.constant 416 : i32
    %add3A_27 = arith.addi %mul3A_25, %add3A_26 : i32
    "tpu.region"() ({
      %run_scoped3A = tpu.sem_alloc : memref<!tpu.dma_semaphore, #tpu.memory_space<semaphore_mem>>
      %dma_start3A = arith.constant 0 : i32
      %dma_start3A_50 = arith.constant 0 : i32
      %dma_start3A_51 = tpu.memref_slice %arg7[%dma_start3A, %dma_start3A_50] : memref<200x128xf32, #tpu.memory_space<vmem>> -> memref<104x128xf32, #tpu.memory_space<vmem>>
      %dma_start3A_52 = arith.constant 0 : i32
      %dma_start3A_53 = tpu.memref_slice %arg6[%add3A_27, %dma_start3A_52] : memref<10000x128xf32, #tpu.memory_space<vmem_shared>> -> memref<104x128xf32, #tpu.memory_space<vmem_shared>>
      %dma_start3A_54 = arith.constant 0 : i32
      %dma_start3A_55 = tpu.memref_slice %arg6[%add3A_27, %dma_start3A_54] : memref<10000x128xf32, #tpu.memory_space<vmem_shared>> -> memref<104x128xf32, #tpu.memory_space<vmem_shared>>
      %dma_start3A_56 = arith.constant 0 : i32
      %dma_start3A_57 = arith.constant 0 : i32
      %dma_start3A_58 = tpu.memref_slice %arg7[%dma_start3A_56, %dma_start3A_57] : memref<200x128xf32, #tpu.memory_space<vmem>> -> memref<104x128xf32, #tpu.memory_space<vmem>>
      tpu.enqueue_dma source(%dma_start3A_58 : memref<104x128xf32, #tpu.memory_space<vmem>>) target(%dma_start3A_55 : memref<104x128xf32, #tpu.memory_space<vmem_shared>>) target_semaphore(%run_scoped3A : memref<!tpu.dma_semaphore, #tpu.memory_space<semaphore_mem>>)
      %dma_wait3A = arith.constant 0 : i32
      %dma_wait3A_59 = arith.constant 0 : i32
      %dma_wait3A_60 = tpu.memref_slice %arg7[%dma_wait3A, %dma_wait3A_59] : memref<200x128xf32, #tpu.memory_space<vmem>> -> memref<104x128xf32, #tpu.memory_space<vmem>>
      %dma_wait3A_61 = arith.constant 0 : i32
      %dma_wait3A_62 = tpu.memref_slice %arg6[%add3A_27, %dma_wait3A_61] : memref<10000x128xf32, #tpu.memory_space<vmem_shared>> -> memref<104x128xf32, #tpu.memory_space<vmem_shared>>
      %dma_wait3A_63 = arith.constant 0 : i32
      %dma_wait3A_64 = tpu.memref_slice %arg6[%add3A_27, %dma_wait3A_63] : memref<10000x128xf32, #tpu.memory_space<vmem_shared>> -> memref<104x128xf32, #tpu.memory_space<vmem_shared>>
      %dma_wait3A_65 = arith.constant 0 : i32
      %dma_wait3A_66 = arith.constant 0 : i32
      %dma_wait3A_67 = tpu.memref_slice %arg7[%dma_wait3A_65, %dma_wait3A_66] : memref<200x128xf32, #tpu.memory_space<vmem>> -> memref<104x128xf32, #tpu.memory_space<vmem>>
      tpu.wait_dma2 semaphore(%run_scoped3A : memref<!tpu.dma_semaphore, #tpu.memory_space<semaphore_mem>>) src(%dma_wait3A_67 : memref<104x128xf32, #tpu.memory_space<vmem>>) dst(%dma_wait3A_64 : memref<104x128xf32, #tpu.memory_space<vmem_shared>>)
      tpu.yield
    }) : () -> ()
    %mul3A_28 = arith.constant 624 : i32
    %mul3A_29 = arith.muli %arg1, %mul3A_28 : i32
    %add3A_30 = arith.constant 520 : i32
    %add3A_31 = arith.addi %mul3A_29, %add3A_30 : i32
    "tpu.region"() ({
      %run_scoped3A = tpu.sem_alloc : memref<!tpu.dma_semaphore, #tpu.memory_space<semaphore_mem>>
      %dma_start3A = arith.constant 0 : i32
      %dma_start3A_50 = arith.constant 0 : i32
      %dma_start3A_51 = tpu.memref_slice %arg7[%dma_start3A, %dma_start3A_50] : memref<200x128xf32, #tpu.memory_space<vmem>> -> memref<104x128xf32, #tpu.memory_space<vmem>>
      %dma_start3A_52 = arith.constant 0 : i32
      %dma_start3A_53 = tpu.memref_slice %arg6[%add3A_31, %dma_start3A_52] : memref<10000x128xf32, #tpu.memory_space<vmem_shared>> -> memref<104x128xf32, #tpu.memory_space<vmem_shared>>
      %dma_start3A_54 = arith.constant 0 : i32
      %dma_start3A_55 = tpu.memref_slice %arg6[%add3A_31, %dma_start3A_54] : memref<10000x128xf32, #tpu.memory_space<vmem_shared>> -> memref<104x128xf32, #tpu.memory_space<vmem_shared>>
      %dma_start3A_56 = arith.constant 0 : i32
      %dma_start3A_57 = arith.constant 0 : i32
      %dma_start3A_58 = tpu.memref_slice %arg7[%dma_start3A_56, %dma_start3A_57] : memref<200x128xf32, #tpu.memory_space<vmem>> -> memref<104x128xf32, #tpu.memory_space<vmem>>
      tpu.enqueue_dma source(%dma_start3A_58 : memref<104x128xf32, #tpu.memory_space<vmem>>) target(%dma_start3A_55 : memref<104x128xf32, #tpu.memory_space<vmem_shared>>) target_semaphore(%run_scoped3A : memref<!tpu.dma_semaphore, #tpu.memory_space<semaphore_mem>>)
      %dma_wait3A = arith.constant 0 : i32
      %dma_wait3A_59 = arith.constant 0 : i32
      %dma_wait3A_60 = tpu.memref_slice %arg7[%dma_wait3A, %dma_wait3A_59] : memref<200x128xf32, #tpu.memory_space<vmem>> -> memref<104x128xf32, #tpu.memory_space<vmem>>
      %dma_wait3A_61 = arith.constant 0 : i32
      %dma_wait3A_62 = tpu.memref_slice %arg6[%add3A_31, %dma_wait3A_61] : memref<10000x128xf32, #tpu.memory_space<vmem_shared>> -> memref<104x128xf32, #tpu.memory_space<vmem_shared>>
      %dma_wait3A_63 = arith.constant 0 : i32
      %dma_wait3A_64 = tpu.memref_slice %arg6[%add3A_31, %dma_wait3A_63] : memref<10000x128xf32, #tpu.memory_space<vmem_shared>> -> memref<104x128xf32, #tpu.memory_space<vmem_shared>>
      %dma_wait3A_65 = arith.constant 0 : i32
      %dma_wait3A_66 = arith.constant 0 : i32
      %dma_wait3A_67 = tpu.memref_slice %arg7[%dma_wait3A_65, %dma_wait3A_66] : memref<200x128xf32, #tpu.memory_space<vmem>> -> memref<104x128xf32, #tpu.memory_space<vmem>>
      tpu.wait_dma2 semaphore(%run_scoped3A : memref<!tpu.dma_semaphore, #tpu.memory_space<semaphore_mem>>) src(%dma_wait3A_67 : memref<104x128xf32, #tpu.memory_space<vmem>>) dst(%dma_wait3A_64 : memref<104x128xf32, #tpu.memory_space<vmem_shared>>)
      tpu.yield
    }) : () -> ()
    %eq3A = arith.constant 15 : i32
    %eq3A_32 = arith.cmpi eq, %arg1, %eq3A : i32
    %convert_element_type3A = arith.extui %eq3A_32 : i1 to i32
    %cond3A = arith.constant 0 : i32
    %cond3A_33 = arith.cmpi ne, %convert_element_type3A, %cond3A : i32
    scf.if %cond3A_33 {
      "tpu.region"() ({
        %run_scoped3A = tpu.sem_alloc : memref<!tpu.dma_semaphore, #tpu.memory_space<semaphore_mem>>
        %dma_start3A = arith.constant 0 : i32
        %dma_start3A_50 = arith.constant 0 : i32
        %dma_start3A_51 = tpu.memref_slice %arg7[%dma_start3A, %dma_start3A_50] : memref<200x128xf32, #tpu.memory_space<vmem>> -> memref<16x128xf32, #tpu.memory_space<vmem>>
        %dma_start3A_52 = arith.constant 9984 : i32
        %dma_start3A_53 = arith.constant 0 : i32
        %dma_start3A_54 = tpu.memref_slice %arg6[%dma_start3A_52, %dma_start3A_53] : memref<10000x128xf32, #tpu.memory_space<vmem_shared>> -> memref<16x128xf32, #tpu.memory_space<vmem_shared>>
        %dma_start3A_55 = arith.constant 9984 : i32
        %dma_start3A_56 = arith.constant 0 : i32
        %dma_start3A_57 = tpu.memref_slice %arg6[%dma_start3A_55, %dma_start3A_56] : memref<10000x128xf32, #tpu.memory_space<vmem_shared>> -> memref<16x128xf32, #tpu.memory_space<vmem_shared>>
        %dma_start3A_58 = arith.constant 0 : i32
        %dma_start3A_59 = arith.constant 0 : i32
        %dma_start3A_60 = tpu.memref_slice %arg7[%dma_start3A_58, %dma_start3A_59] : memref<200x128xf32, #tpu.memory_space<vmem>> -> memref<16x128xf32, #tpu.memory_space<vmem>>
        tpu.enqueue_dma source(%dma_start3A_60 : memref<16x128xf32, #tpu.memory_space<vmem>>) target(%dma_start3A_57 : memref<16x128xf32, #tpu.memory_space<vmem_shared>>) target_semaphore(%run_scoped3A : memref<!tpu.dma_semaphore, #tpu.memory_space<semaphore_mem>>)
        %dma_wait3A = arith.constant 0 : i32
        %dma_wait3A_61 = arith.constant 0 : i32
        %dma_wait3A_62 = tpu.memref_slice %arg7[%dma_wait3A, %dma_wait3A_61] : memref<200x128xf32, #tpu.memory_space<vmem>> -> memref<16x128xf32, #tpu.memory_space<vmem>>
        %dma_wait3A_63 = arith.constant 9984 : i32
        %dma_wait3A_64 = arith.constant 0 : i32
        %dma_wait3A_65 = tpu.memref_slice %arg6[%dma_wait3A_63, %dma_wait3A_64] : memref<10000x128xf32, #tpu.memory_space<vmem_shared>> -> memref<16x128xf32, #tpu.memory_space<vmem_shared>>
        %dma_wait3A_66 = arith.constant 9984 : i32
        %dma_wait3A_67 = arith.constant 0 : i32
        %dma_wait3A_68 = tpu.memref_slice %arg6[%dma_wait3A_66, %dma_wait3A_67] : memref<10000x128xf32, #tpu.memory_space<vmem_shared>> -> memref<16x128xf32, #tpu.memory_space<vmem_shared>>
        %dma_wait3A_69 = arith.constant 0 : i32
        %dma_wait3A_70 = arith.constant 0 : i32
        %dma_wait3A_71 = tpu.memref_slice %arg7[%dma_wait3A_69, %dma_wait3A_70] : memref<200x128xf32, #tpu.memory_space<vmem>> -> memref<16x128xf32, #tpu.memory_space<vmem>>
        tpu.wait_dma2 semaphore(%run_scoped3A : memref<!tpu.dma_semaphore, #tpu.memory_space<semaphore_mem>>) src(%dma_wait3A_71 : memref<16x128xf32, #tpu.memory_space<vmem>>) dst(%dma_wait3A_68 : memref<16x128xf32, #tpu.memory_space<vmem_shared>>)
        tpu.yield
      }) : () -> ()
    } else {
    }
    %barrier3A = arith.constant 0 : index
    tpu.barrier barrier_id(%barrier3A)
    %scan3A_34 = arith.constant 0 : i32
    %scan3A_35 = arith.constant 0 : i32
    %scan3A_36 = arith.constant 50 : i32
    %scan3A_37 = arith.addi %scan3A_35, %scan3A_36 : i32
    %scan3A_38 = arith.constant 1 : i32
    scf.for %scan3A_50 = %scan3A_35 to %scan3A_37 step %scan3A_38  : i32 {
      %mul3A_51 = arith.constant 200 : i32
      %mul3A_52 = arith.muli %scan3A_50, %mul3A_51 : i32
      %add3A_53 = arith.addi %add3A, %mul3A_52 : i32
      "tpu.region"() ({
        %run_scoped3A = tpu.sem_alloc : memref<!tpu.dma_semaphore, #tpu.memory_space<semaphore_mem>>
        %dma_start3A = arith.constant 0 : i32
        %dma_start3A_60 = tpu.memref_slice %arg2[%add3A_53, %dma_start3A] : memref<320000x128xf32, #tpu.memory_space<hbm>> -> memref<200x128xf32, #tpu.memory_space<hbm>>
        %dma_start3A_61 = arith.constant 0 : i32
        %dma_start3A_62 = tpu.memref_slice %arg2[%add3A_53, %dma_start3A_61] : memref<320000x128xf32, #tpu.memory_space<hbm>> -> memref<200x128xf32, #tpu.memory_space<hbm>>
        tpu.enqueue_dma source(%dma_start3A_62 : memref<200x128xf32, #tpu.memory_space<hbm>>) target(%arg7 : memref<200x128xf32, #tpu.memory_space<vmem>>) target_semaphore(%run_scoped3A : memref<!tpu.dma_semaphore, #tpu.memory_space<semaphore_mem>>)
        %dma_wait3A = arith.constant 0 : i32
        %dma_wait3A_63 = tpu.memref_slice %arg2[%add3A_53, %dma_wait3A] : memref<320000x128xf32, #tpu.memory_space<hbm>> -> memref<200x128xf32, #tpu.memory_space<hbm>>
        %dma_wait3A_64 = arith.constant 0 : i32
        %dma_wait3A_65 = tpu.memref_slice %arg2[%add3A_53, %dma_wait3A_64] : memref<320000x128xf32, #tpu.memory_space<hbm>> -> memref<200x128xf32, #tpu.memory_space<hbm>>
        tpu.wait_dma2 semaphore(%run_scoped3A : memref<!tpu.dma_semaphore, #tpu.memory_space<semaphore_mem>>) src(%dma_wait3A_65 : memref<200x128xf32, #tpu.memory_space<hbm>>) dst(%arg7 : memref<200x128xf32, #tpu.memory_space<vmem>>)
        tpu.yield
      }) : () -> ()
      "tpu.region"() ({
        %run_scoped3A = tpu.sem_alloc : memref<!tpu.dma_semaphore, #tpu.memory_space<semaphore_mem>>
        %dma_start3A = tpu.memref_slice %arg4[%add3A_53] : memref<320000xi32, #tpu.memory_space<hbm>> -> memref<200xi32, #tpu.memory_space<hbm>>
        %dma_start3A_60 = tpu.memref_slice %arg4[%add3A_53] : memref<320000xi32, #tpu.memory_space<hbm>> -> memref<200xi32, #tpu.memory_space<hbm>>
        tpu.enqueue_dma source(%dma_start3A_60 : memref<200xi32, #tpu.memory_space<hbm>>) target(%arg8 : memref<200xi32, #tpu.memory_space<vmem>>) target_semaphore(%run_scoped3A : memref<!tpu.dma_semaphore, #tpu.memory_space<semaphore_mem>>)
        %dma_wait3A = tpu.memref_slice %arg4[%add3A_53] : memref<320000xi32, #tpu.memory_space<hbm>> -> memref<200xi32, #tpu.memory_space<hbm>>
        %dma_wait3A_61 = tpu.memref_slice %arg4[%add3A_53] : memref<320000xi32, #tpu.memory_space<hbm>> -> memref<200xi32, #tpu.memory_space<hbm>>
        tpu.wait_dma2 semaphore(%run_scoped3A : memref<!tpu.dma_semaphore, #tpu.memory_space<semaphore_mem>>) src(%dma_wait3A_61 : memref<200xi32, #tpu.memory_space<hbm>>) dst(%arg8 : memref<200xi32, #tpu.memory_space<vmem>>)
        tpu.yield
      }) : () -> ()
      "tpu.region"() ({
        %run_scoped3A = tpu.sem_alloc : memref<!tpu.dma_semaphore, #tpu.memory_space<semaphore_mem>>
        %dma_start3A = tpu.memref_slice %arg3[%add3A_53] : memref<320000xi32, #tpu.memory_space<hbm>> -> memref<200xi32, #tpu.memory_space<hbm>>
        %dma_start3A_60 = tpu.memref_slice %arg3[%add3A_53] : memref<320000xi32, #tpu.memory_space<hbm>> -> memref<200xi32, #tpu.memory_space<hbm>>
        tpu.enqueue_dma source(%dma_start3A_60 : memref<200xi32, #tpu.memory_space<hbm>>) target(%arg9 : memref<200xi32, #tpu.memory_space<vmem>>) target_semaphore(%run_scoped3A : memref<!tpu.dma_semaphore, #tpu.memory_space<semaphore_mem>>)
        %dma_wait3A = tpu.memref_slice %arg3[%add3A_53] : memref<320000xi32, #tpu.memory_space<hbm>> -> memref<200xi32, #tpu.memory_space<hbm>>
        %dma_wait3A_61 = tpu.memref_slice %arg3[%add3A_53] : memref<320000xi32, #tpu.memory_space<hbm>> -> memref<200xi32, #tpu.memory_space<hbm>>
        tpu.wait_dma2 semaphore(%run_scoped3A : memref<!tpu.dma_semaphore, #tpu.memory_space<semaphore_mem>>) src(%dma_wait3A_61 : memref<200xi32, #tpu.memory_space<hbm>>) dst(%arg9 : memref<200xi32, #tpu.memory_space<vmem>>)
        tpu.yield
      }) : () -> ()
      "tpu.region"() ({
        %run_scoped3A = tpu.sem_alloc : memref<!tpu.dma_semaphore, #tpu.memory_space<semaphore_mem>>
        %dma_start3A = arith.constant 0 : i32
        %dma_start3A_60 = arith.constant 0 : i32
        %dma_start3A_61 = tpu.memref_slice %arg6[%dma_start3A, %dma_start3A_60] : memref<10000x128xf32, #tpu.memory_space<vmem_shared>> -> memref<10000x128xf32, #tpu.memory_space<vmem_shared>>
        tpu.enqueue_indirect_dma source(%arg7 : memref<200x128xf32, #tpu.memory_space<vmem>>) target(%dma_start3A_61 : memref<10000x128xf32, #tpu.memory_space<vmem_shared>>) offsets(%arg8 : memref<200xi32, #tpu.memory_space<vmem>>) semaphore(%run_scoped3A : memref<!tpu.dma_semaphore, #tpu.memory_space<semaphore_mem>>) {add = true}
        %dma_wait3A = arith.constant 0 : i32
        %dma_wait3A_62 = arith.constant 0 : i32
        %dma_wait3A_63 = tpu.memref_slice %arg6[%dma_wait3A, %dma_wait3A_62] : memref<10000x128xf32, #tpu.memory_space<vmem_shared>> -> memref<10000x128xf32, #tpu.memory_space<vmem_shared>>
        tpu.wait_indirect_dma semaphore(%run_scoped3A : memref<!tpu.dma_semaphore, #tpu.memory_space<semaphore_mem>>) src(%arg7 : memref<200x128xf32, #tpu.memory_space<vmem>>) dst(%dma_wait3A_63 : memref<10000x128xf32, #tpu.memory_space<vmem_shared>>)
        tpu.yield
      }) : () -> ()
      %scan3A_54 = arith.constant 0 : i32
      %scan3A_55 = arith.constant 0 : i32
      %scan3A_56 = arith.constant 200 : i32
      %scan3A_57 = arith.addi %scan3A_55, %scan3A_56 : i32
      %scan3A_58 = arith.constant 1 : i32
      scf.for %scan3A_60 = %scan3A_55 to %scan3A_57 step %scan3A_58  : i32 {
        %get3A = arith.index_cast %scan3A_60 : i32 to index
        %get3A_61 = arith.constant 0 : index
        %get3A_62 = tpu.vector_load %arg7[%get3A, %get3A_61] {strides = array<i32>} : memref<200x128xf32, #tpu.memory_space<vmem>>, vector<1x16xf32>,
        %get3A_63 = vector.shape_cast %get3A_62 : vector<1x16xf32> to vector<16xf32>
        %neg3A = arith.constant 0.000000e+00 : f32
        %neg3A_64 = vector.broadcast %neg3A : f32 to vector<16xf32>
        %neg3A_65 = arith.subf %neg3A_64, %get3A_63 : vector<16xf32>
        %swap3A = arith.index_cast %scan3A_60 : i32 to index
        %swap3A_66 = arith.constant 0 : index
        %swap3A_67 = tpu.vector_load %arg7[%swap3A, %swap3A_66] {strides = array<i32>} : memref<200x128xf32, #tpu.memory_space<vmem>>, vector<1x16xf32>,
        %swap3A_68 = vector.shape_cast %swap3A_67 : vector<1x16xf32> to vector<16xf32>
        %swap3A_69 = vector.shape_cast %neg3A_65 : vector<16xf32> to vector<1x16xf32>
        tpu.vector_store %arg7[%swap3A, %swap3A_66], %swap3A_69 {strides = array<i32>} : memref<200x128xf32, #tpu.memory_space<vmem>>, vector<1x16xf32>,
        %get3A_70 = arith.index_cast %scan3A_60 : i32 to index
        %get3A_71 = arith.constant 16 : index
        %get3A_72 = tpu.vector_load %arg7[%get3A_70, %get3A_71] {strides = array<i32>} : memref<200x128xf32, #tpu.memory_space<vmem>>, vector<1x16xf32>,
        %get3A_73 = vector.shape_cast %get3A_72 : vector<1x16xf32> to vector<16xf32>
        %neg3A_74 = arith.constant 0.000000e+00 : f32
        %neg3A_75 = vector.broadcast %neg3A_74 : f32 to vector<16xf32>
        %neg3A_76 = arith.subf %neg3A_75, %get3A_73 : vector<16xf32>
        %swap3A_77 = arith.index_cast %scan3A_60 : i32 to index
        %swap3A_78 = arith.constant 16 : index
        %swap3A_79 = tpu.vector_load %arg7[%swap3A_77, %swap3A_78] {strides = array<i32>} : memref<200x128xf32, #tpu.memory_space<vmem>>, vector<1x16xf32>,
        %swap3A_80 = vector.shape_cast %swap3A_79 : vector<1x16xf32> to vector<16xf32>
        %swap3A_81 = vector.shape_cast %neg3A_76 : vector<16xf32> to vector<1x16xf32>
        tpu.vector_store %arg7[%swap3A_77, %swap3A_78], %swap3A_81 {strides = array<i32>} : memref<200x128xf32, #tpu.memory_space<vmem>>, vector<1x16xf32>,
        %get3A_82 = arith.index_cast %scan3A_60 : i32 to index
        %get3A_83 = arith.constant 32 : index
        %get3A_84 = tpu.vector_load %arg7[%get3A_82, %get3A_83] {strides = array<i32>} : memref<200x128xf32, #tpu.memory_space<vmem>>, vector<1x16xf32>,
        %get3A_85 = vector.shape_cast %get3A_84 : vector<1x16xf32> to vector<16xf32>
        %neg3A_86 = arith.constant 0.000000e+00 : f32
        %neg3A_87 = vector.broadcast %neg3A_86 : f32 to vector<16xf32>
        %neg3A_88 = arith.subf %neg3A_87, %get3A_85 : vector<16xf32>
        %swap3A_89 = arith.index_cast %scan3A_60 : i32 to index
        %swap3A_90 = arith.constant 32 : index
        %swap3A_91 = tpu.vector_load %arg7[%swap3A_89, %swap3A_90] {strides = array<i32>} : memref<200x128xf32, #tpu.memory_space<vmem>>, vector<1x16xf32>,
        %swap3A_92 = vector.shape_cast %swap3A_91 : vector<1x16xf32> to vector<16xf32>
        %swap3A_93 = vector.shape_cast %neg3A_88 : vector<16xf32> to vector<1x16xf32>
        tpu.vector_store %arg7[%swap3A_89, %swap3A_90], %swap3A_93 {strides = array<i32>} : memref<200x128xf32, #tpu.memory_space<vmem>>, vector<1x16xf32>,
        %get3A_94 = arith.index_cast %scan3A_60 : i32 to index
        %get3A_95 = arith.constant 48 : index
        %get3A_96 = tpu.vector_load %arg7[%get3A_94, %get3A_95] {strides = array<i32>} : memref<200x128xf32, #tpu.memory_space<vmem>>, vector<1x16xf32>,
        %get3A_97 = vector.shape_cast %get3A_96 : vector<1x16xf32> to vector<16xf32>
        %neg3A_98 = arith.constant 0.000000e+00 : f32
        %neg3A_99 = vector.broadcast %neg3A_98 : f32 to vector<16xf32>
        %neg3A_100 = arith.subf %neg3A_99, %get3A_97 : vector<16xf32>
        %swap3A_101 = arith.index_cast %scan3A_60 : i32 to index
        %swap3A_102 = arith.constant 48 : index
        %swap3A_103 = tpu.vector_load %arg7[%swap3A_101, %swap3A_102] {strides = array<i32>} : memref<200x128xf32, #tpu.memory_space<vmem>>, vector<1x16xf32>,
        %swap3A_104 = vector.shape_cast %swap3A_103 : vector<1x16xf32> to vector<16xf32>
        %swap3A_105 = vector.shape_cast %neg3A_100 : vector<16xf32> to vector<1x16xf32>
        tpu.vector_store %arg7[%swap3A_101, %swap3A_102], %swap3A_105 {strides = array<i32>} : memref<200x128xf32, #tpu.memory_space<vmem>>, vector<1x16xf32>,
        %get3A_106 = arith.index_cast %scan3A_60 : i32 to index
        %get3A_107 = arith.constant 64 : index
        %get3A_108 = tpu.vector_load %arg7[%get3A_106, %get3A_107] {strides = array<i32>} : memref<200x128xf32, #tpu.memory_space<vmem>>, vector<1x16xf32>,
        %get3A_109 = vector.shape_cast %get3A_108 : vector<1x16xf32> to vector<16xf32>
        %neg3A_110 = arith.constant 0.000000e+00 : f32
        %neg3A_111 = vector.broadcast %neg3A_110 : f32 to vector<16xf32>
        %neg3A_112 = arith.subf %neg3A_111, %get3A_109 : vector<16xf32>
        %swap3A_113 = arith.index_cast %scan3A_60 : i32 to index
        %swap3A_114 = arith.constant 64 : index
        %swap3A_115 = tpu.vector_load %arg7[%swap3A_113, %swap3A_114] {strides = array<i32>} : memref<200x128xf32, #tpu.memory_space<vmem>>, vector<1x16xf32>,
        %swap3A_116 = vector.shape_cast %swap3A_115 : vector<1x16xf32> to vector<16xf32>
        %swap3A_117 = vector.shape_cast %neg3A_112 : vector<16xf32> to vector<1x16xf32>
        tpu.vector_store %arg7[%swap3A_113, %swap3A_114], %swap3A_117 {strides = array<i32>} : memref<200x128xf32, #tpu.memory_space<vmem>>, vector<1x16xf32>,
        %get3A_118 = arith.index_cast %scan3A_60 : i32 to index
        %get3A_119 = arith.constant 80 : index
        %get3A_120 = tpu.vector_load %arg7[%get3A_118, %get3A_119] {strides = array<i32>} : memref<200x128xf32, #tpu.memory_space<vmem>>, vector<1x16xf32>,
        %get3A_121 = vector.shape_cast %get3A_120 : vector<1x16xf32> to vector<16xf32>
        %neg3A_122 = arith.constant 0.000000e+00 : f32
        %neg3A_123 = vector.broadcast %neg3A_122 : f32 to vector<16xf32>
        %neg3A_124 = arith.subf %neg3A_123, %get3A_121 : vector<16xf32>
        %swap3A_125 = arith.index_cast %scan3A_60 : i32 to index
        %swap3A_126 = arith.constant 80 : index
        %swap3A_127 = tpu.vector_load %arg7[%swap3A_125, %swap3A_126] {strides = array<i32>} : memref<200x128xf32, #tpu.memory_space<vmem>>, vector<1x16xf32>,
        %swap3A_128 = vector.shape_cast %swap3A_127 : vector<1x16xf32> to vector<16xf32>
        %swap3A_129 = vector.shape_cast %neg3A_124 : vector<16xf32> to vector<1x16xf32>
        tpu.vector_store %arg7[%swap3A_125, %swap3A_126], %swap3A_129 {strides = array<i32>} : memref<200x128xf32, #tpu.memory_space<vmem>>, vector<1x16xf32>,
        %get3A_130 = arith.index_cast %scan3A_60 : i32 to index
        %get3A_131 = arith.constant 96 : index
        %get3A_132 = tpu.vector_load %arg7[%get3A_130, %get3A_131] {strides = array<i32>} : memref<200x128xf32, #tpu.memory_space<vmem>>, vector<1x16xf32>,
        %get3A_133 = vector.shape_cast %get3A_132 : vector<1x16xf32> to vector<16xf32>
        %neg3A_134 = arith.constant 0.000000e+00 : f32
        %neg3A_135 = vector.broadcast %neg3A_134 : f32 to vector<16xf32>
        %neg3A_136 = arith.subf %neg3A_135, %get3A_133 : vector<16xf32>
        %swap3A_137 = arith.index_cast %scan3A_60 : i32 to index
        %swap3A_138 = arith.constant 96 : index
        %swap3A_139 = tpu.vector_load %arg7[%swap3A_137, %swap3A_138] {strides = array<i32>} : memref<200x128xf32, #tpu.memory_space<vmem>>, vector<1x16xf32>,
        %swap3A_140 = vector.shape_cast %swap3A_139 : vector<1x16xf32> to vector<16xf32>
        %swap3A_141 = vector.shape_cast %neg3A_136 : vector<16xf32> to vector<1x16xf32>
        tpu.vector_store %arg7[%swap3A_137, %swap3A_138], %swap3A_141 {strides = array<i32>} : memref<200x128xf32, #tpu.memory_space<vmem>>, vector<1x16xf32>,
        %get3A_142 = arith.index_cast %scan3A_60 : i32 to index
        %get3A_143 = arith.constant 112 : index
        %get3A_144 = tpu.vector_load %arg7[%get3A_142, %get3A_143] {strides = array<i32>} : memref<200x128xf32, #tpu.memory_space<vmem>>, vector<1x16xf32>,
        %get3A_145 = vector.shape_cast %get3A_144 : vector<1x16xf32> to vector<16xf32>
        %neg3A_146 = arith.constant 0.000000e+00 : f32
        %neg3A_147 = vector.broadcast %neg3A_146 : f32 to vector<16xf32>
        %neg3A_148 = arith.subf %neg3A_147, %get3A_145 : vector<16xf32>
        %swap3A_149 = arith.index_cast %scan3A_60 : i32 to index
        %swap3A_150 = arith.constant 112 : index
        %swap3A_151 = tpu.vector_load %arg7[%swap3A_149, %swap3A_150] {strides = array<i32>} : memref<200x128xf32, #tpu.memory_space<vmem>>, vector<1x16xf32>,
        %swap3A_152 = vector.shape_cast %swap3A_151 : vector<1x16xf32> to vector<16xf32>
        %swap3A_153 = vector.shape_cast %neg3A_148 : vector<16xf32> to vector<1x16xf32>
        tpu.vector_store %arg7[%swap3A_149, %swap3A_150], %swap3A_153 {strides = array<i32>} : memref<200x128xf32, #tpu.memory_space<vmem>>, vector<1x16xf32>,
      }
      %scan3A_59 = arith.constant 200 : i32
      "tpu.region"() ({
        %run_scoped3A = tpu.sem_alloc : memref<!tpu.dma_semaphore, #tpu.memory_space<semaphore_mem>>
        %dma_start3A = arith.constant 0 : i32
        %dma_start3A_60 = arith.constant 0 : i32
        %dma_start3A_61 = tpu.memref_slice %arg6[%dma_start3A, %dma_start3A_60] : memref<10000x128xf32, #tpu.memory_space<vmem_shared>> -> memref<10000x128xf32, #tpu.memory_space<vmem_shared>>
        tpu.enqueue_indirect_dma source(%arg7 : memref<200x128xf32, #tpu.memory_space<vmem>>) target(%dma_start3A_61 : memref<10000x128xf32, #tpu.memory_space<vmem_shared>>) offsets(%arg9 : memref<200xi32, #tpu.memory_space<vmem>>) semaphore(%run_scoped3A : memref<!tpu.dma_semaphore, #tpu.memory_space<semaphore_mem>>) {add = true}
        %dma_wait3A = arith.constant 0 : i32
        %dma_wait3A_62 = arith.constant 0 : i32
        %dma_wait3A_63 = tpu.memref_slice %arg6[%dma_wait3A, %dma_wait3A_62] : memref<10000x128xf32, #tpu.memory_space<vmem_shared>> -> memref<10000x128xf32, #tpu.memory_space<vmem_shared>>
        tpu.wait_indirect_dma semaphore(%run_scoped3A : memref<!tpu.dma_semaphore, #tpu.memory_space<semaphore_mem>>) src(%arg7 : memref<200x128xf32, #tpu.memory_space<vmem>>) dst(%dma_wait3A_63 : memref<10000x128xf32, #tpu.memory_space<vmem_shared>>)
        tpu.yield
      }) : () -> ()
    }
    %scan3A_39 = arith.constant 50 : i32
    %barrier3A_40 = arith.constant 0 : index
    tpu.barrier barrier_id(%barrier3A_40)
    %mul3A_41 = arith.constant 624 : i32
    %mul3A_42 = arith.muli %arg1, %mul3A_41 : i32
    %mul3A_43 = arith.constant 624 : i32
    %mul3A_44 = arith.muli %arg1, %mul3A_43 : i32
    "tpu.region"() ({
      %run_scoped3A = tpu.sem_alloc : memref<!tpu.dma_semaphore, #tpu.memory_space<semaphore_mem>>
      %dma_start3A = arith.constant 0 : i32
      %dma_start3A_50 = tpu.memref_slice %arg5[%arg0, %mul3A_44, %dma_start3A] : memref<2x10000x128xf32, #tpu.memory_space<hbm>> -> memref<1x624x128xf32, #tpu.memory_space<hbm>>
      %dma_start3A_51 = tpu.memref_squeeze %dma_start3A_50 : memref<1x624x128xf32, #tpu.memory_space<hbm>> -> memref<624x128xf32, #tpu.memory_space<hbm>>
      %dma_start3A_52 = arith.constant 0 : i32
      %dma_start3A_53 = tpu.memref_slice %arg6[%mul3A_42, %dma_start3A_52] : memref<10000x128xf32, #tpu.memory_space<vmem_shared>> -> memref<624x128xf32, #tpu.memory_space<vmem_shared>>
      tpu.enqueue_dma source(%dma_start3A_53 : memref<624x128xf32, #tpu.memory_space<vmem_shared>>) target(%dma_start3A_51 : memref<624x128xf32, #tpu.memory_space<hbm>>) target_semaphore(%run_scoped3A : memref<!tpu.dma_semaphore, #tpu.memory_space<semaphore_mem>>)
      %dma_wait3A = arith.constant 0 : i32
      %dma_wait3A_54 = tpu.memref_slice %arg5[%arg0, %mul3A_44, %dma_wait3A] : memref<2x10000x128xf32, #tpu.memory_space<hbm>> -> memref<1x624x128xf32, #tpu.memory_space<hbm>>
      %dma_wait3A_55 = tpu.memref_squeeze %dma_wait3A_54 : memref<1x624x128xf32, #tpu.memory_space<hbm>> -> memref<624x128xf32, #tpu.memory_space<hbm>>
      %dma_wait3A_56 = arith.constant 0 : i32
      %dma_wait3A_57 = tpu.memref_slice %arg6[%mul3A_42, %dma_wait3A_56] : memref<10000x128xf32, #tpu.memory_space<vmem_shared>> -> memref<624x128xf32, #tpu.memory_space<vmem_shared>>
      tpu.wait_dma2 semaphore(%run_scoped3A : memref<!tpu.dma_semaphore, #tpu.memory_space<semaphore_mem>>) src(%dma_wait3A_57 : memref<624x128xf32, #tpu.memory_space<vmem_shared>>) dst(%dma_wait3A_55 : memref<624x128xf32, #tpu.memory_space<hbm>>)
      tpu.yield
    }) : () -> ()
    %eq3A_45 = arith.constant 15 : i32
    %eq3A_46 = arith.cmpi eq, %arg1, %eq3A_45 : i32
    %convert_element_type3A_47 = arith.extui %eq3A_46 : i1 to i32
    %cond3A_48 = arith.constant 0 : i32
    %cond3A_49 = arith.cmpi ne, %convert_element_type3A_47, %cond3A_48 : i32
    scf.if %cond3A_49 {
      "tpu.region"() ({
        %run_scoped3A = tpu.sem_alloc : memref<!tpu.dma_semaphore, #tpu.memory_space<semaphore_mem>>
        %dma_start3A = arith.constant 9984 : i32
        %dma_start3A_50 = arith.constant 0 : i32
        %dma_start3A_51 = tpu.memref_slice %arg5[%arg0, %dma_start3A, %dma_start3A_50] : memref<2x10000x128xf32, #tpu.memory_space<hbm>> -> memref<1x16x128xf32, #tpu.memory_space<hbm>>
        %dma_start3A_52 = tpu.memref_squeeze %dma_start3A_51 : memref<1x16x128xf32, #tpu.memory_space<hbm>> -> memref<16x128xf32, #tpu.memory_space<hbm>>
        %dma_start3A_53 = arith.constant 9984 : i32
        %dma_start3A_54 = arith.constant 0 : i32
        %dma_start3A_55 = tpu.memref_slice %arg6[%dma_start3A_53, %dma_start3A_54] : memref<10000x128xf32, #tpu.memory_space<vmem_shared>> -> memref<16x128xf32, #tpu.memory_space<vmem_shared>>
        tpu.enqueue_dma source(%dma_start3A_55 : memref<16x128xf32, #tpu.memory_space<vmem_shared>>) target(%dma_start3A_52 : memref<16x128xf32, #tpu.memory_space<hbm>>) target_semaphore(%run_scoped3A : memref<!tpu.dma_semaphore, #tpu.memory_space<semaphore_mem>>)
        %dma_wait3A = arith.constant 9984 : i32
        %dma_wait3A_56 = arith.constant 0 : i32
        %dma_wait3A_57 = tpu.memref_slice %arg5[%arg0, %dma_wait3A, %dma_wait3A_56] : memref<2x10000x128xf32, #tpu.memory_space<hbm>> -> memref<1x16x128xf32, #tpu.memory_space<hbm>>
        %dma_wait3A_58 = tpu.memref_squeeze %dma_wait3A_57 : memref<1x16x128xf32, #tpu.memory_space<hbm>> -> memref<16x128xf32, #tpu.memory_space<hbm>>
        %dma_wait3A_59 = arith.constant 9984 : i32
        %dma_wait3A_60 = arith.constant 0 : i32
        %dma_wait3A_61 = tpu.memref_slice %arg6[%dma_wait3A_59, %dma_wait3A_60] : memref<10000x128xf32, #tpu.memory_space<vmem_shared>> -> memref<16x128xf32, #tpu.memory_space<vmem_shared>>
        tpu.wait_dma2 semaphore(%run_scoped3A : memref<!tpu.dma_semaphore, #tpu.memory_space<semaphore_mem>>) src(%dma_wait3A_61 : memref<16x128xf32, #tpu.memory_space<vmem_shared>>) dst(%dma_wait3A_58 : memref<16x128xf32, #tpu.memory_space<hbm>>)
        tpu.yield
      }) : () -> ()
    } else {
    }
    return
  }
}

</mosaic_0001>

<sc_bundles>
// kernel: _node_scatter.3.cloned.1.call-start
scs
__scs_entry_jumppad:
0x0: {  	(pc) =	sbr.rel $0x88, $3  }
0x1: {  	(tag) =	ssettag $0x0;
	lr =	simm.s32 $0x1  }
0x2: {  	[smem:$0x3F9E] =	sst lr;
	_ =	strace $0xD0000000  }
0x3: {  	_ = 	snop  }
0x4: {  	_ = 	snop  }
0x5: {  	_ = 	snop  }
0x6: {  	_ = 	snop  }
0x7: {  	_ = 	snop  }
__scs_overlays_trampoline_lowered:
0x8: {  	[smem:$0x3FAD] =	sst s0  }
0x9: {  	[smem:$0x3FAE] =	sst s1  }
0xa: {  	[smem:$0x3FAF] =	sst s2  }
0xb: {  	[smem:$0x3FB0] =	sst s3  }
0xc: {  	[smem:$0x3FB1] =	sst s4  }
0xd: {  	[smem:$0x3FB2] =	sst s5  }
0xe: {  	[smem:$0x3FB3] =	sst s6  }
0xf: {  	[smem:$0x3FB4] =	sst s7  }
0x10: {  	[smem:$0x3FB5] =	sst s8  }
0x11: {  	[smem:$0x3FB6] =	sst s9;
	s0 =	simm.s32 @!p0 $0x0  }
0x12: {  	s1 =	sld [smem:$0x3F9C];
	s0 =	simm.s32 @p0 $0x1  }
0x13: {  	[smem:$0x3FB7] =	sst s0;
	s0 =	simm.s32 @!p1 $0x0  }
0x14: {  	s2 =	sld [smem:$0x3F9B];
	s0 =	simm.s32 @p1 $0x1  }
0x15: {  	[smem:$0x3FB8] =	sst s0;
	s0 =	simm.s32 @!p2 $0x0  }
0x16: {  	s3 =	sld [smem:$0x3FDB];
	s0 =	simm.s32 @p2 $0x1  }
0x17: {  	s4 =	simm.s32 $0x1BF5;
	[smem:$0x3FBA] =	sst s0  }
0x18: {  	s0 =	sld [smem:$0x3F9D];
	_ =	swait.ge [sflag:s4], $0x0  }
0x19: {  	s7 =	sld [smem:$0x3F9E]  }
0x1a: {  	s8 =	sadd.s32 $0xFFFFE003, lr  }
0x1b: {  	s9 =	sadd.s32 $0xFFFFFEF7, lr;
	s5 =	simm.s32 $0xFFFFFFFF;
	p2 =	slt.u32 s8, $0xFFFFF086  }
0x1c: {  	p1 =	slt.u32 s9, $0xF7A;
	s5 =	simm.s32 @!p2 $0x0  }
0x1d: {  	s5 =	simm.s32 @p1 $0x1;
	p0 =	seq.s32 s7, s2  }
0x1e: {  	s7 =	smul.u32 @!p0 $0xF7A, s2;
	p2 =	seq.s32 @!p0 s5, $0x0  }
0x1f: {  	s9 =	smul.u32 $0xF7A, s1;
	s8 =	simm.s32 @!p0 $0x1BF5;
	p2 =	por !p2, p0  }
0x20: {  	[sflag:s8] =	ssyncset.s32 @!p0 $0xFFFFF086;
	s6 =	sadd.s32 @!p0 s3, s7;
	s7 =	simm.s32 @!p0 $0x108  }
0x21: {  	s3 =	sadd.s32 s3, s9;
	s6 =	sadd.s32 @!p0 $0x88, s6;
	s7 =	simm.s32 @p2 $0x1082  }
0x22: {  	[simem:s7], [sflag:s8] =	dma.local @!p0 [hbm:s6], $0xF7A  }
0x23: {  	s9 =	sor.u32 $0xD0000000, s2;
	s6 =	simm.s32 $0x108;
	_ =	swait.ge @!p0 [sflag:s8], $0x0  }
0x24: {  	s3 =	sadd.s32 $0x88, s3;
	s6 =	simm.s32 @!p1 $0x1082;
	[sflag:s4] =	ssyncset.s32 $0xFFFFF086  }
0x25: {  	[simem:s6], [sflag:s4] =	dma.local [hbm:s3], $0xF7A  }
0x26: {  	[smem:$0x3F9E] =	sst s1;
	(tag) =	ssettag s2;
	_ =	strace s9  }
0x27: {  	s1 =	sld [smem:$0x3FAE]  }
0x28: {  	s2 =	sld [smem:$0x3FAF]  }
0x29: {  	s4 =	sld [smem:$0x3FB1]  }
0x2a: {  	p0 =	seq.s32 s5, $0x0;
	s5 =	sld [smem:$0x3FB2]  }
0x2b: {  	s6 =	sld [smem:$0x3FB3]  }
0x2c: {  	s7 =	sld [smem:$0x3FB4]  }
0x2d: {  	s3 =	simm.s32 $0x108;
	s8 =	sld [smem:$0x3FB5]  }
0x2e: {  	s3 =	simm.s32 @!p0 $0x1082;
	s9 =	sld [smem:$0x3FB6]  }
0x2f: {  	lr =	sadd.s32 s0, s3;
	s0 =	sld [smem:$0x3FAD]  }
0x30: {  	s3 =	sld [smem:$0x3FB0]  }
0x31: {  	[smem:$0x3FB9] =	sst s10  }
0x32: {  	s10 =	sld [smem:$0x3FB7];
	_ =	sdelay $0x3  }
0x33: {  	p0 =	seq.s32 s10, $0x1;
	s10 =	sld [smem:$0x3FB9];
	_ =	sdelay $0x3  }
0x34: {  	[smem:$0x3FB9] =	sst s10  }
0x35: {  	s10 =	sld [smem:$0x3FB8];
	_ =	sdelay $0x3  }
0x36: {  	p1 =	seq.s32 s10, $0x1;
	s10 =	sld [smem:$0x3FB9];
	_ =	sdelay $0x3  }
0x37: {  	[smem:$0x3FB9] =	sst s10  }
0x38: {  	s10 =	sld [smem:$0x3FBA]  }
0x39: {  	_ = 	snop;
	(pc) =	sbr.ind lr, $3  }
0x3a: {  	_ = 	snop  }
0x3b: {  	_ = 	snop  }
0x3c: {  	p2 =	seq.s32 s10, $0x1;
	s10 =	sld [smem:$0x3FB9]  }
0x3d: {  	_ =	shalt  }
0x3e: {  	_ =	shalt  }
0x3f: {  	_ =	shalt  }
0x40: {  	_ =	shalt  }
0x41: {  	_ =	shalt  }
0x42: {  	_ =	shalt  }
0x43: {  	_ =	shalt  }
0x44: {  	_ =	shalt  }
0x45: {  	_ =	shalt  }
0x46: {  	_ =	shalt  }
0x47: {  	_ =	shalt  }
0x48: {  	_ =	shalt  }
0x49: {  	_ =	shalt  }
0x4a: {  	_ =	shalt  }
0x4b: {  	_ =	shalt  }
0x4c: {  	_ =	shalt  }
0x4d: {  	_ =	shalt  }
0x4e: {  	_ =	shalt  }
0x4f: {  	_ =	shalt  }
0x50: {  	_ =	shalt  }
0x51: {  	_ =	shalt  }
0x52: {  	_ =	shalt  }
0x53: {  	_ =	shalt  }
0x54: {  	_ =	shalt  }
0x55: {  	_ =	shalt  }
0x56: {  	_ =	shalt  }
0x57: {  	_ =	shalt  }
0x58: {  	_ =	shalt  }
0x59: {  	_ =	shalt  }
0x5a: {  	_ =	shalt  }
0x5b: {  	_ =	shalt  }
0x5c: {  	_ =	shalt  }
0x5d: {  	_ =	shalt  }
0x5e: {  	_ =	shalt  }
0x5f: {  	_ =	shalt  }
0x60: {  	_ =	shalt  }
0x61: {  	_ =	shalt  }
0x62: {  	_ =	shalt  }
0x63: {  	_ =	shalt  }
0x64: {  	_ =	shalt  }
0x65: {  	_ =	shalt  }
0x66: {  	_ =	shalt  }
0x67: {  	_ =	shalt  }
0x68: {  	_ =	shalt  }
0x69: {  	_ =	shalt  }
0x6a: {  	_ =	shalt  }
0x6b: {  	_ =	shalt  }
0x6c: {  	_ =	shalt  }
0x6d: {  	_ =	shalt  }
0x6e: {  	_ =	shalt  }
0x6f: {  	_ =	shalt  }
0x70: {  	_ =	shalt  }
0x71: {  	_ =	shalt  }
0x72: {  	_ =	shalt  }
0x73: {  	_ =	shalt  }
0x74: {  	_ =	shalt  }
0x75: {  	_ =	shalt  }
0x76: {  	_ =	shalt  }
0x77: {  	_ =	shalt  }
0x78: {  	_ =	shalt  }
0x79: {  	_ =	shalt  }
0x7a: {  	_ =	shalt  }
0x7b: {  	_ =	shalt  }
0x7c: {  	_ =	shalt  }
0x7d: {  	_ =	shalt  }
0x7e: {  	_ =	shalt  }
0x7f: {  	_ =	shalt  }
0x80: {  	_ =	shalt  }
0x81: {  	_ =	shalt  }
0x82: {  	_ =	shalt  }
0x83: {  	_ =	shalt  }
0x84: {  	_ =	shalt  }
0x85: {  	_ =	shalt  }
0x86: {  	_ =	shalt  }
0x87: {  	_ =	shalt  }
.Lfunc_end0:
.L_simem_size_0:
called_computation_lowered:
.L_overlay_start_0:
0x88: {  	s2 =	sld [smem:$0x3FD9]  }
0x89: {  	s3 =	sld [smem:$0x3FFE];
	_ =	sdelay $0x1  }
0x8a: {  	s1 =	srdreg.scid  }
0x8b: {  	s0 =	sand.u32 $0x1, s1  }
0x8c: {  	s18 =	sshll.u32 s0, $0xA;
	s2 =	sadd.s32 s3, s2  }
0x8d: {  	s2 =	sadd.s32 s2, s18  }
0x8e: {  	[smem:$0x3FC5] =	sst s2  }
0x8f: {  	_ = 	snop  }
0x90: {  	s2 =	sld [smem:$0x3FC9]  }
0x91: {  	s19 =	sld [smem:$0x3FC8]  }
0x92: {  	s4 =	sld [smem:$0x3FC7]  }
0x93: {  	s5 =	sld [smem:$0x3FD0];
	(tm) =	ssettm $0x1  }
0x94: {  	s6 =	sld [smem:$0x3FFB];
	_ =	sdelay $0x3  }
0x95: {  	_ =	strace s6  }
0x96: {  	s6 =	sld [smem:$0x3FFC];
	_ =	sdelay $0x3  }
0x97: {  	_ =	strace s6  }
0x98: {  	s6 =	sld [smem:$0x3FFD];
	_ =	sdelay $0x3  }
0x99: {  	_ =	strace s6  }
0x9a: {  	_ =	strace $0x8FFFFFFF  }
0x9b: {  	s20 =	sld [smem:$0x3FDB];
	_ =	sdelay $0x1  }
0x9c: {  	s7 =	simm.s32 $_scs_section_size  }
0x9d: {  	s8 =	simm.s32 $_size__tile_overlayer_lowered;
	s9 =	simm.s32 $_tile_overlayer_lowered  }
0x9e: {  	s23 =	simm.s32 $0x1BFF;
	s22 =	sshll.u32 s9, $0x1;
	s6 =	sadd.s32 s7, s20  }
0x9f: {  	s10 =	simm.s32 $0x0;
	s21 =	sshll.u32 s8, $0x1;
	s8 =	sadd.s32 s22, s6  }
0xa0: {  	[timem:s10], [sflag:s23] =	dma.local [hbm:s8], s21  }
0xa1: {  	_ =	swait.ge [sflag:s23], s21  }
0xa2: {  	s7 =	ssub.s32 $0x0, s21;
	[sflag:s23] =	ssyncset.done $0x0  }
0xa3: {  	[sflag:s23] =	ssyncadd.s32 s7;
	_ =	sdelay $0x1  }
0xa4: {  	s24 =	simm.s32 $0x1B8B  }
0xa5: {  	_ =	swait.ge [sflag:s24], $0x1  }
0xa6: {  	[sflag:s24] =	ssyncset.done $0x0  }
0xa7: {  	s25 =	simm.s32 $0x1B8E;
	[sflag:s24] =	ssyncadd.s32 $0xFFFFFFFF  }
0xa8: {  	s26 =	simm.s32 $execute0_lowered;
	[smem:$0x3FD2] =	sst s25  }
0xa9: {  	s7 =	sshll.u32 s26, $0x1;
	_ =	strace $0x80000046;
	[dreg:$0x1] =	wrdreg $0xFFFFFFFF  }
0xaa: {  	s28 =	simm.s32 $_size_execute0_lowered;
	s6 =	sadd.s32 s6, s7;
	[dreg:$0x0] =	wrdreg $0x0  }
0xab: {  	s7 =	sshll.u32 s28, $0x1;
	[dreg:$0x2] =	wrdreg s6  }
0xac: {  	[dreg:$0x3] =	wrdreg s7  }
0xad: {  	[dreg:$0x4] =	wrdreg $0xC0  }
0xae: {  	_ =	task [dreg:s10], $0x5FFFF  }
0xaf: {  	[dreg:$0x1] =	wrdreg $0xFFFFFFFF  }
0xb0: {  	[dreg:$0x0] =	wrdreg $0x60  }
0xb1: {  	[dreg:$0x2] =	wrdreg s2  }
0xb2: {  	[dreg:$0x3] =	wrdreg s19  }
0xb3: {  	[dreg:$0x4] =	wrdreg s4  }
0xb4: {  	[dreg:$0x5] =	wrdreg s5  }
0xb5: {  	[dreg:$0x6] =	wrdreg $0x0  }
0xb6: {  	[dreg:$0x7] =	wrdreg $0x9  }
0xb7: {  	_ =	task.clear_ibuf [dreg:s10], $0x8FFFF;
	_ =	strace $0x90000046  }
0xb8: {  	s29 =	simm.s32 $0x9;
	_ =	strace $0x80000048  }
0xb9: {  	_ =	swait.ge [sflag:s29], $0x1  }
0xba: {  	[sflag:s29] =	ssyncadd.s32 $0xFFFFFFFF  }
0xbb: {  	_ =	strace $0x90000048  }
0xbc: {  	_ =	sfence  }
0xbd: {  	s30 =	sld [smem:$0x0];
	_ =	sdelay $0x2  }
0xbe: {  	s31 =	sshll.u32 s1, $0xD;
	s1 =	sshrl.u32 s1, $0x2  }
0xbf: {  	s3 =	sand.u32 $0x4000, s31;
	s1 =	sadd.s32 s1, s30  }
0xc0: {  	s0 =	sor.u32 s3, s0;
	s1 =	sshll.u32 s1, $0x11  }
0xc1: {  	s0 =	sor.u32 s1, s0  }
0xc2: {  	s0 =	sadd.s32 $0x8F2B, s0  }
0xc3: {  	[sflag:s0] =	ssyncadd.remote.s32 $0x1  }
0xc4: {  	_ =	sfence.sel $0xFFFF  }
0xc5: {  	[dreg:$0x0] =	wrdreg $0xFFFFFFFF;
	(pc) =	sbr.abs _section_cstart, $3  }
0xc6: {  	[dreg:$0x1] =	wrdreg $0xFFFFFFFF  }
0xc7: {  	_ =	task.clear_ibuf [dreg:s10], $0x2FFFF;
	_ =	strace $0x9FFFFFFF  }
0xc8: {  	(tm) =	ssettm $0x7FFFFFFF  }
0xc9: {  	_ =	shalt  }
tec
execute0_lowered:
.L_overlay_start_1:
0x0: {  	(tag) =	ssettag $0x1  }
0x1: {  	s1 =	rddreg [dreg:$0x0]  }
0x2: {  	s2 =	rddreg [dreg:$0x1]  }
0x3: {  	s3 =	rddreg [dreg:$0x2]  }
0x4: {  	s15 =	rddreg [dreg:$0x3]  }
0x5: {  	s5 =	rddreg [dreg:$0x4]  }
0x6: {  	s0 =	rddreg [dreg:$0x5]  }
0x7: {  	s6 =	simm.s32 $0x0;
	s7 =	srdreg.scid;
	s4 =	stileid.u32  }
0x8: {  	s19 =	simm.s32 $0x1;
	s20 =	simm.s32 $0x19C80;
	s31 =	smul.u32 $0x4E000, s4  }
0x9: {  	s21 =	simm.s32 $0x19D80;
	s22 =	simm.s32 $0xC8;
	s12 =	smul.u32 $0x2710, s4  }
0xa: {  	[smem:$0x7FF] =	sst s6;
	s8 =	sand.u32 $0x1, s7;
	s16 =	smul.u32 $0x13800, s4  }
0xb: {  	p0 =	sne.s32 s4, $0xF;
	s9 =	ssub.s32 $0x2, s8;
	s10 =	smul.u32 $0x27100, s8  }
0xc: {  	s14 =	smul.u32 $0x138800, s8;
	s11 =	sshrl.u32 s9, $0x1;
	s7 =	sshrl.u32 s31, $0x2  }
0xd: {  	_ =	strace $0x80000047;
	s17 =	ssub.s32 s9, s11;
	s7 =	sadd.s32 s7, s5  }
0xe: {  	s8 =	sadd.s32 s12, s10;
	s16 =	sadd.s32 s16, s14;
	s18 =	sshrl.u32 s14, $0x3  }
0xf: {  	s14 =	sadd.s32 $0x138000, s5;
	s9 =	sadd.s32 $0x3400, s7;
	s10 =	sadd.s32 $0x6800, s7  }
0x10: {  	s11 =	sadd.s32 $0x9C00, s7;
	s12 =	sadd.s32 $0xD000, s7;
	s13 =	sadd.s32 $0x10400, s7  }
0x11: {  	s16 =	sshrl.u32 s16, $0x3;
	s18 =	sadd.s32 s15, s18;
	s17 =	smax.u32 s17, $0x1  }
0x12: {  	v0 =	vimm.f32 $0.0e+00;
	s15 =	sadd.s32 s15, s16;
	s16 =	sadd.s32 $0x27000, s18;
	s18 =	simm.s32 $0x13880  }
.LBB2_1:
0x13: {  	s23 =	simm.s32 $0x0;
	s24 =	simm.s32 $0x200  }
.LBB2_2:
0x14: {  	p1 =	sne.s32 s24, $0xCE00;
	[tilespmem:s23+$0x138F0] =	vst v0  }
0x15: {  	[tilespmem:s23+$0x13880] =	vst v0  }
0x16: {  	[tilespmem:s23+$0x13890] =	vst v0  }
.Ltmp0:
0x17: {  	[tilespmem:s23+$0x138A0] =	vst v0;
	(pc) =	sbr.rel @p1 .LBB2_2-.Ltmp0, $4  }
0x18: {  	[tilespmem:s23+$0x138B0] =	vst v0  }
0x19: {  	[tilespmem:s23+$0x138C0] =	vst v0  }
0x1a: {  	[tilespmem:s23+$0x138D0] =	vst v0  }
0x1b: {  	[tilespmem:s23+$0x138E0] =	vst v0;
	s23 =	sshra.s32 s24, $0x2;
	s24 =	sadd.s32 $0x200, s24  }
0x1c: {  	[tilespmem:s23+$0x138F0] =	vst v0  }
0x1d: {  	[tilespmem:s23+$0x13880] =	vst v0  }
0x1e: {  	[tilespmem:s23+$0x13890] =	vst v0  }
0x1f: {  	[tilespmem:s23+$0x138A0] =	vst v0  }
0x20: {  	[tilespmem:s23+$0x138B0] =	vst v0  }
0x21: {  	[tilespmem:s23+$0x138C0] =	vst v0  }
0x22: {  	[tilespmem:s23+$0x138D0] =	vst v0  }
0x23: {  	[tilespmem:s23+$0x138E0] =	vst v0  }
0x24: {  	[spmem:s7] =	stream.linear.scatter [tilespmem:s18], [sflag:$0x1], $0x3400, $0x38;
	[tilespmem:$0x19E80] =	vst v63  }
0x25: {  	_ =	swait.ge [sflag:s19], $0x3400  }
0x26: {  	[sflag:s19] =	ssyncset.done $0x0  }
0x27: {  	[sflag:s19] =	ssyncadd.s32 $0xFFFFCC00  }
0x28: {  	[spmem:s9] =	stream.linear.scatter [tilespmem:s18], [sflag:$0x1], $0x3400, $0x38;
	[tilespmem:$0x19E80] =	vst v63  }
0x29: {  	_ =	swait.ge [sflag:s19], $0x3400  }
0x2a: {  	[sflag:s19] =	ssyncset.done $0x0  }
0x2b: {  	[sflag:s19] =	ssyncadd.s32 $0xFFFFCC00  }
0x2c: {  	[spmem:s10] =	stream.linear.scatter [tilespmem:s18], [sflag:$0x1], $0x3400, $0x38;
	[tilespmem:$0x19E80] =	vst v63  }
0x2d: {  	_ =	swait.ge [sflag:s19], $0x3400  }
0x2e: {  	[sflag:s19] =	ssyncset.done $0x0  }
0x2f: {  	[sflag:s19] =	ssyncadd.s32 $0xFFFFCC00  }
0x30: {  	[spmem:s11] =	stream.linear.scatter [tilespmem:s18], [sflag:$0x1], $0x3400, $0x38;
	[tilespmem:$0x19E80] =	vst v63  }
0x31: {  	_ =	swait.ge [sflag:s19], $0x3400  }
0x32: {  	[sflag:s19] =	ssyncset.done $0x0  }
0x33: {  	[sflag:s19] =	ssyncadd.s32 $0xFFFFCC00  }
0x34: {  	[spmem:s12] =	stream.linear.scatter [tilespmem:s18], [sflag:$0x1], $0x3400, $0x38;
	[tilespmem:$0x19E80] =	vst v63  }
0x35: {  	_ =	swait.ge [sflag:s19], $0x3400  }
0x36: {  	[sflag:s19] =	ssyncset.done $0x0  }
0x37: {  	[sflag:s19] =	ssyncadd.s32 $0xFFFFCC00  }
0x38: {  	[spmem:s13] =	stream.linear.scatter [tilespmem:s18], [sflag:$0x1], $0x3400, $0x38;
	[tilespmem:$0x19E80] =	vst v63  }
0x39: {  	_ =	swait.ge [sflag:s19], $0x3400  }
0x3a: {  	[sflag:s19] =	ssyncset.done $0x0  }
0x3b: {  	s23 =	simm.s32 @!p0 $0x13880;
	[sflag:s19] =	ssyncadd.s32 $0xFFFFCC00  }
0x3c: {  	[spmem:s14] =	stream.linear.scatter @!p0 [tilespmem:s23], [sflag:$0x1], $0x800, $0x38;
	[tilespmem:$0x19E80] =	vst v63  }
0x3d: {  	s23 =	simm.s32 @!p0 $0x1  }
0x3e: {  	_ =	swait.ge @!p0 [sflag:s23], $0x800  }
0x3f: {  	[sflag:s23] =	ssyncset.done @!p0 $0x0  }
0x40: {  	[sflag:s23] =	ssyncadd.s32 @!p0 $0xFFFFF800  }
0x41: {  	s24 =	simm.s32 $0x0;
	s23 =	simm.s32 $0x0;
	[bflag:$0x0] =	sbarrier.arrive $0xFFFF  }
.LBB2_4:
0x42: {  	s25 =	smul.u32 $0xC8, s24;
	_ =	sdelay $0x1  }
0x43: {  	s25 =	sadd.s32 s25, s8  }
0x44: {  	s26 =	sshll.u32 s25, $0x4  }
0x45: {  	s26 =	sadd.s32 s1, s26  }
0x46: {  	[tilespmem:s18], [sflag:$0x1] =	stream.linear.gather [hbm4b:s26+s23], $0x6400, $0x38;
	[tilespmem:$0x19E80] =	vst v63  }
0x47: {  	_ =	swait.ge [sflag:s19], $0x6400  }
0x48: {  	s25 =	sshrl.u32 s25, $0x3;
	[sflag:s19] =	ssyncset.done $0x0  }
0x49: {  	s31 =	sadd.s32 s3, s25;
	[sflag:s19] =	ssyncadd.s32 $0xFFFF9C00  }
0x4a: {  	[tilespmem:s20], [sflag:$0x1] =	stream.linear.gather [hbm4b:s31+s23], $0xC8, $0x38;
	[tilespmem:$0x19E80] =	vst v63  }
0x4b: {  	_ =	swait.ge [sflag:s19], $0xC8  }
0x4c: {  	[sflag:s19] =	ssyncset.done $0x0  }
0x4d: {  	s25 =	sadd.s32 s2, s25;
	[sflag:s19] =	ssyncadd.s32 $0xFFFFFF38  }
0x4e: {  	[tilespmem:s21], [sflag:$0x1] =	stream.linear.gather [hbm4b:s25+s23], $0xC8, $0x38;
	[tilespmem:$0x19E80] =	vst v63  }
0x4f: {  	_ =	swait.ge [sflag:s19], $0xC8  }
0x50: {  	[sflag:s19] =	ssyncset.done $0x0  }
0x51: {  	[sflag:s19] =	ssyncadd.s32 $0xFFFFFF38  }
0x52: {  	[spmem:s5] =	stream.indirect.scatter.add.f32 [tilespmem:s18], [sflag:$0x1], $0x80, s20, s22, $0xb8;
	[tilespmem:$0x19E80] =	vst v63  }
0x53: {  	_ =	swait.ge [sflag:s19], $0x6400  }
0x54: {  	[sflag:s19] =	ssyncset.done $0x0  }
0x55: {  	s25 =	simm.s32 $0x0;
	[sflag:s19] =	ssyncadd.s32 $0xFFFF9C00  }
0x56: {  	v4 =	vld [tilespmem:s25+$0x13880]  }
0x57: {  	v6 =	vld [tilespmem:s25+$0x13890]  }
0x58: {  	v5 =	vld [tilespmem:s25+$0x138A0]  }
0x59: {  	v3 =	vld [tilespmem:s25+$0x138B0]  }
0x5a: {  	v1 =	vld [tilespmem:s25+$0x138C0]  }
0x5b: {  	v2 =	vld [tilespmem:s25+$0x138D0];
	v7 =	vsub.f32 $0.0e+00, v4  }
0x5c: {  	s26 =	simm.s32 $0x200;
	v6 =	vsub.f32 $0.0e+00, v6;
	v4 =	vld [tilespmem:s25+$0x138E0]  }
.LBB2_5:
0x5d: {  	s28 =	sshra.s32 s26, $0x2;
	p1 =	sne.s32 s26, $0x18E00;
	[tilespmem:s25+$0x13880] =	vst v7;
	v5 =	vsub.f32 $0.0e+00, v5;
	v7 =	vld [tilespmem:s25+$0x138F0]  }
0x5e: {  	v8 =	vld [tilespmem:s28+$0x13880];
	[tilespmem:s25+$0x13890] =	vst v6;
	v3 =	vsub.f32 $0.0e+00, v3  }
0x5f: {  	v6 =	vld [tilespmem:s28+$0x13890];
	[tilespmem:s25+$0x138A0] =	vst v5;
	v1 =	vsub.f32 $0.0e+00, v1  }
.Ltmp1:
0x60: {  	v5 =	vld [tilespmem:s28+$0x138A0];
	[tilespmem:s25+$0x138B0] =	vst v3;
	v2 =	vsub.f32 $0.0e+00, v2;
	(pc) =	sbr.rel @p1 .LBB2_5-.Ltmp1, $4  }
0x61: {  	v3 =	vld [tilespmem:s28+$0x138B0];
	[tilespmem:s25+$0x138C0] =	vst v1;
	v4 =	vsub.f32 $0.0e+00, v4  }
0x62: {  	v1 =	vld [tilespmem:s28+$0x138C0];
	[tilespmem:s25+$0x138D0] =	vst v2;
	v9 =	vsub.f32 $0.0e+00, v7  }
0x63: {  	v7 =	vsub.f32 $0.0e+00, v8;
	v2 =	vld [tilespmem:s28+$0x138D0];
	[tilespmem:s25+$0x138E0] =	vst v4  }
0x64: {  	s26 =	sadd.s32 $0x200, s26;
	v6 =	vsub.f32 $0.0e+00, v6;
	v4 =	vld [tilespmem:s28+$0x138E0];
	[tilespmem:s25+$0x138F0] =	vst v9;
	s25 =	smov.u32 s28  }
0x65: {  	[tilespmem:s25+$0x13880] =	vst v7;
	v5 =	vsub.f32 $0.0e+00, v5;
	v63 =	vld [tilespmem:s25+$0x138F0]  }
0x66: {  	[tilespmem:s25+$0x13890] =	vst v6;
	v3 =	vsub.f32 $0.0e+00, v3  }
0x67: {  	[tilespmem:s25+$0x138A0] =	vst v5;
	v1 =	vsub.f32 $0.0e+00, v1  }
0x68: {  	[tilespmem:s25+$0x138B0] =	vst v3;
	v2 =	vsub.f32 $0.0e+00, v2  }
0x69: {  	[tilespmem:s25+$0x138C0] =	vst v1;
	v1 =	vsub.f32 $0.0e+00, v4  }
0x6a: {  	s24 =	sadd.s32 $0x1, s24;
	[tilespmem:s25+$0x138D0] =	vst v2;
	v2 =	vsub.f32 $0.0e+00, v63  }
0x6b: {  	p1 =	sne.s32 s24, $0x32;
	[tilespmem:s25+$0x138E0] =	vst v1  }
.Ltmp2:
0x6c: {  	[tilespmem:s25+$0x138F0] =	vst v2;
	(pc) =	sbr.rel @p1 .LBB2_4-.Ltmp2, $4  }
0x6d: {  	[spmem:s5] =	stream.indirect.scatter.add.f32 [tilespmem:s18], [sflag:$0x1], $0x80, s21, s22, $0xb8;
	[tilespmem:$0x19E80] =	vst v63  }
0x6e: {  	_ =	swait.ge [sflag:s19], $0x6400  }
0x6f: {  	[sflag:s19] =	ssyncset.done $0x0  }
0x70: {  	[sflag:s19] =	ssyncadd.s32 $0xFFFF9C00  }
0x71: {  	s23 =	sshll.u32 s4, $0x6  }
0x72: {  	[bflag:$0x0] =	sbarrier.arrive $0xFFFF;
	s24 =	sshrl.u32 s7, $0x3;
	s23 =	sor.u32 $0x1C01, s23  }
0x73: {  	[hbm:s15], [sflag:s23] =	dma.local [spmem:s24], $0x2700  }
0x74: {  	_ =	swait.ge [sflag:s19], $0x2700  }
0x75: {  	s6 =	sadd.s32 $0x1, s6;
	[sflag:s19] =	ssyncset.done $0x0  }
0x76: {  	p1 =	sne.s32 s6, s17;
	s24 =	sshrl.u32 @!p0 s14, $0x3;
	[sflag:s19] =	ssyncadd.s32 $0xFFFFD900  }
0x77: {  	[hbm:s16], [sflag:s23] =	dma.local @!p0 [spmem:s24], $0x100  }
.Ltmp3:
0x78: {  	_ = 	snop;
	(pc) =	sbr.rel @p1 .LBB2_1-.Ltmp3, $4  }
0x79: {  	s23 =	simm.s32 @!p0 $0x1  }
0x7a: {  	_ =	swait.ge @!p0 [sflag:s23], $0x100  }
0x7b: {  	[sflag:s23] =	ssyncset.done @!p0 $0x0  }
0x7c: {  	[sflag:s23] =	ssyncadd.s32 @!p0 $0xFFFFFF00  }
0x7d: {  	_ =	sfence.sel $0x180000  }
0x7e: {  	[bflag:$0x0] =	sbarrier.arrive $0xFFFF  }
0x7f: {  	p0 =	sne.s32 s4, $0x0;
	_ =	strace $0x90000047  }
0x80: {  	s0 =	sadd.s32 @!p0 $0x100000, s0;
	[bflag:$0x2] =	sbarrier.arrive $0xFFFF  }
0x81: {  	[sflag:s0] =	ssyncadd.tile.s32 @!p0 $0x1;
	_ =	shalt  }
.Lfunc_end2:
_tile_overlayer_lowered:
.L_overlay_start_2:
0x82: {  	(tag) =	ssettag $0x2  }
0x83: {  	s0 =	rddreg [dreg:$0x0];
	s2 =	stileid.u32  }
0x84: {  	s1 =	rddreg [dreg:$0x1];
	p0 =	sne.s32 s2, $0x0  }
0x85: {  	s3 =	rddreg [dreg:$0x2];
	[bflag:$0x3] =	sbarrier.arrive $0xFFFF;
	s2 =	simm.s32 @!p0 $0x1C01  }
0x86: {  	[timem:s3], [sflag:s2] =	dma.local @!p0 [hbm:s0], s1  }
0x87: {  	s0 =	simm.s32 @!p0 $0x1  }
0x88: {  	_ =	swait.ge @!p0 [sflag:s0], s1  }
0x89: {  	s1 =	ssub.s32 @!p0 $0x0, s1;
	[sflag:s0] =	ssyncset.done @!p0 $0x0  }
0x8a: {  	[sflag:s0] =	ssyncadd.s32 @!p0 s1  }
0x8b: {  	[bflag:$0x3] =	sbarrier.arrive $0xFFFF  }
0x8c: {  	_ =	shalt  }

</sc_bundles>
